<compile_context>
chip_gen: v7x
topology: tpu7x:2x2x1
jax: 0.10.2.dev20260603
libtpu: 0.0.44.dev20260713+nightly
codegen_flags: <defaults>
</compile_context>

<pallas_src>
import functools

import jax
import jax.numpy as jnp
from jax.experimental import pallas as pl

_LANES = 128


def _expand_body(idx_ref, rep_ref, src_ref, w_ref, b_ref, out_ref, pooled_ref,
                 *, seq: int, dim: int):
    flat = seq * dim
    flatp = rep_ref.shape[1]
    bt = idx_ref.shape[0]
    idx_bf = idx_ref[...].astype(jnp.bfloat16)
    rep = jnp.dot(idx_bf, rep_ref[...], preferred_element_type=jnp.float32)
    repi = rep.astype(jnp.int32)
    src = jnp.broadcast_to(src_ref[...], (bt, _LANES))
    ft = None
    for j0 in range(0, flatp, _LANES):
        kcol = jax.lax.broadcasted_iota(jnp.int32, (bt, _LANES), 1) + j0
        kcol = kcol - dim * (kcol // dim)
        lookup = repi[:, j0:j0 + _LANES] * dim + kcol
        vals = jnp.take_along_axis(src, lookup, axis=1)
        w = min(_LANES, flat - j0)
        out_ref[:, j0:j0 + w] = vals[:, :w]
        if j0 == 0:
            ft = vals[:, :dim]
    pooled = jnp.dot(ft, w_ref[...], preferred_element_type=jnp.float32)
    pooled_ref[...] = jnp.tanh(pooled + b_ref[...])


def kernel(inputs, table, W, b):
    batch, seq = inputs.shape
    vocab, dim = table.shape
    flat = seq * dim
    flatp = ((flat + _LANES - 1) // _LANES) * _LANES
    block_b = 512

    j = jnp.arange(flatp, dtype=jnp.int32)
    s = jnp.arange(seq, dtype=jnp.int32)
    rep_mat = (s[:, None] == (j[None, :] // dim)).astype(jnp.bfloat16)
    src_row = jnp.pad(table.reshape(-1), (0, _LANES - vocab * dim))[None, :]

    grid = (batch // block_b,)
    out_flat, pooled = pl.pallas_call(
        functools.partial(_expand_body, seq=seq, dim=dim),
        grid=grid,
        in_specs=[
            pl.BlockSpec((block_b, seq), lambda i: (i, 0)),
            pl.BlockSpec((seq, flatp), lambda i: (0, 0)),
            pl.BlockSpec((1, _LANES), lambda i: (0, 0)),
            pl.BlockSpec((dim, dim), lambda i: (0, 0)),
            pl.BlockSpec((1, dim), lambda i: (0, 0)),
        ],
        out_specs=[
            pl.BlockSpec((block_b, flat), lambda i: (i, 0)),
            pl.BlockSpec((block_b, dim), lambda i: (i, 0)),
        ],
        out_shape=[
            jax.ShapeDtypeStruct((batch, flat), jnp.float32),
            jax.ShapeDtypeStruct((batch, dim), jnp.float32),
        ],
    )(inputs, rep_mat, src_row, W, b[None, :])
    return out_flat.reshape(batch, seq, dim), pooled

# --- scband reference (transcript-rebuilt; emitter-appended) ---
"""Pipeline reference for scband-simple-embedding-model-16750372454906 (READ-ONLY COPY).

The authoritative reference and input builder live on the scoring server;
editing this copy changes nothing except your own understanding.
"""

import jax, jax.numpy as jnp
import numpy as np

BATCH = 16384
SEQ = 200
VOCAB = 10
DIM = 6

def setup_inputs(seed: int = 0) -> dict:
    key = jax.random.key(seed)
    k1, k2, k3, k4 = jax.random.split(key, 4)
    inputs = jax.random.randint(k1, (BATCH, SEQ), 0, VOCAB)
    # Embedding table, keras 'uniform' initializer default range [-0.05, 0.05]
    table = jax.random.uniform(k2, (VOCAB, DIM), minval=-0.05, maxval=0.05, dtype=jnp.float32)
    # Pooler dense (module uses zeros init; use small random for nontrivial output)
    W = jax.random.normal(k3, (DIM, DIM), dtype=jnp.float32) * 0.1
    b = jax.random.normal(k4, (DIM,), dtype=jnp.float32) * 0.01
    return {"inputs": inputs, "table": table, "W": W, "b": b}

def reference(inputs, table, W, b):
    # sequence_output = embed_layer(inputs)
    sequence_output = jnp.take(table, inputs, axis=0)  # [B, S, DIM]
    # first_token_tensor = squeeze(sequence_output[:, 0:1, :], axis=1)
    first_token_tensor = sequence_output[:, 0, :]  # [B, DIM]
    # pooled_output = Dense(units=DIM, activation='tanh')
    pooled_output = jnp.tanh(first_token_tensor @ W + b)  # [B, DIM]
    return (sequence_output, pooled_output)

if __name__ == "__main__":
    import jax
    _d = setup_inputs()
    print(jax.jit(kernel)(*tuple(_d.values())))

</pallas_src>

<mosaic_0001>
module attributes {stable_mosaic.version = 14 : i64} {
  func.func @_expand_body(%arg0: i32, %arg1: memref<512x200xi32, #tpu.memory_space<vmem>>, %arg2: memref<200x1280xbf16, #tpu.memory_space<vmem>>, %arg3: memref<1x128xf32, #tpu.memory_space<vmem>>, %arg4: memref<6x6xf32, #tpu.memory_space<vmem>>, %arg5: memref<1x6xf32, #tpu.memory_space<vmem>>, %arg6: memref<512x1200xf32, #tpu.memory_space<vmem>>, %arg7: memref<512x6xf32, #tpu.memory_space<vmem>>) attributes {dimension_semantics = [#tpu.dimension_semantics<arbitrary>], iteration_bounds = array<i64: 32>, scalar_prefetch = 0 : i64, scratch_operands = 0 : i64, tpu.core_type = #tpu.core_type<tc>, window_params = [{transform_indices = @transform_0, window_bounds = array<i64: 512, 200>}, {pipeline_mode = #tpu.pipeline_mode<synchronous>, transform_indices = @transform_1, window_bounds = array<i64: 200, 1280>}, {pipeline_mode = #tpu.pipeline_mode<synchronous>, transform_indices = @transform_2, window_bounds = array<i64: 1, 128>}, {pipeline_mode = #tpu.pipeline_mode<synchronous>, transform_indices = @transform_3, window_bounds = array<i64: 6, 6>}, {pipeline_mode = #tpu.pipeline_mode<synchronous>, transform_indices = @transform_4, window_bounds = array<i64: 1, 6>}, {transform_indices = @transform_5, window_bounds = array<i64: 512, 1200>}, {transform_indices = @transform_6, window_bounds = array<i64: 512, 6>}]} {
    %get3A = arith.constant 0 : index
    %get3A_0 = arith.constant 0 : index
    %get3A_1 = vector.load %arg1[%get3A, %get3A_0] : memref<512x200xi32, #tpu.memory_space<vmem>>, vector<512x200xi32>
    %convert_element_type3A = arith.sitofp %get3A_1 : vector<512x200xi32> to vector<512x200xbf16>
    %get3A_2 = arith.constant 0 : index
    %get3A_3 = arith.constant 0 : index
    %get3A_4 = vector.load %arg2[%get3A_2, %get3A_3] : memref<200x1280xbf16, #tpu.memory_space<vmem>>, vector<200x1280xbf16>
    %dot_general3A = arith.constant dense<0.000000e+00> : vector<512x1280xf32>
    %dot_general3A_5 = tpu.matmul %convert_element_type3A, %get3A_4, %dot_general3A {dimension_numbers = #tpu.dot_dimension_numbers<[1], [0], [0], [1], [0, 0, 1, 1], [], []>, transpose_lhs_hint = false} : vector<512x200xbf16>, vector<200x1280xbf16>, vector<512x1280xf32> -> vector<512x1280xf32>
    %convert_element_type3A_6 = arith.fptosi %dot_general3A_5 : vector<512x1280xf32> to vector<512x1280xi32>
    %get3A_7 = arith.constant 0 : index
    %get3A_8 = arith.constant 0 : index
    %get3A_9 = vector.load %arg3[%get3A_7, %get3A_8] : memref<1x128xf32, #tpu.memory_space<vmem>>, vector<1x128xf32>
    %broadcast_in_dim3A = vector.shape_cast %get3A_9 : vector<1x128xf32> to vector<1x128xf32>
    %broadcast_in_dim3A_10 = vector.broadcast %broadcast_in_dim3A : vector<1x128xf32> to vector<512x128xf32>
    %iota3A = tpu.iota {dimensions = array<i32: 1>} : vector<512x128xi32>
    %add3A = arith.constant 0 : i32
    %add3A_11 = vector.broadcast %add3A : i32 to vector<512x128xi32>
    %add3A_12 = arith.addi %iota3A, %add3A_11 : vector<512x128xi32>
    %jit3A = arith.constant 6 : i32
    %div3A = vector.broadcast %jit3A : i32 to vector<512x128xi32>
    %div3A_13 = arith.divsi %add3A_12, %div3A : vector<512x128xi32>
    %sign3A = arith.constant 0 : i32
    %sign3A_14 = vector.broadcast %sign3A : i32 to vector<512x128xi32>
    %sign3A_15 = arith.cmpi sgt, %add3A_12, %sign3A_14 : vector<512x128xi32>
    %sign3A_16 = arith.extui %sign3A_15 : vector<512x128xi1> to vector<512x128xi32>
    %sign3A_17 = arith.constant 0 : i32
    %sign3A_18 = vector.broadcast %sign3A_17 : i32 to vector<512x128xi32>
    %sign3A_19 = arith.cmpi slt, %add3A_12, %sign3A_18 : vector<512x128xi32>
    %sign3A_20 = arith.extui %sign3A_19 : vector<512x128xi1> to vector<512x128xi32>
    %sign3A_21 = arith.subi %sign3A_16, %sign3A_20 : vector<512x128xi32>
    %sign3A_22 = arith.constant 0 : i32
    %sign3A_23 = arith.cmpi sgt, %jit3A, %sign3A_22 : i32
    %sign3A_24 = arith.extui %sign3A_23 : i1 to i32
    %sign3A_25 = arith.constant 0 : i32
    %sign3A_26 = arith.cmpi slt, %jit3A, %sign3A_25 : i32
    %sign3A_27 = arith.extui %sign3A_26 : i1 to i32
    %sign3A_28 = arith.subi %sign3A_24, %sign3A_27 : i32
    %ne3A = vector.broadcast %sign3A_28 : i32 to vector<512x128xi32>
    %ne3A_29 = arith.cmpi ne, %sign3A_21, %ne3A : vector<512x128xi32>
    %rem3A = vector.broadcast %jit3A : i32 to vector<512x128xi32>
    %rem3A_30 = arith.remsi %add3A_12, %rem3A : vector<512x128xi32>
    %ne3A_31 = arith.constant 0 : i32
    %ne3A_32 = vector.broadcast %ne3A_31 : i32 to vector<512x128xi32>
    %ne3A_33 = arith.cmpi ne, %rem3A_30, %ne3A_32 : vector<512x128xi32>
    %and3A = arith.andi %ne3A_29, %ne3A_33 : vector<512x128xi1>
    %sub3A = arith.constant 1 : i32
    %sub3A_34 = vector.broadcast %sub3A : i32 to vector<512x128xi32>
    %sub3A_35 = arith.subi %div3A_13, %sub3A_34 : vector<512x128xi32>
    %select_n3A = arith.select %and3A, %sub3A_35, %div3A_13 : vector<512x128xi1>, vector<512x128xi32>
    %mul3A = arith.constant 6 : i32
    %mul3A_36 = vector.broadcast %mul3A : i32 to vector<512x128xi32>
    %mul3A_37 = arith.muli %mul3A_36, %select_n3A : vector<512x128xi32>
    %sub3A_38 = arith.subi %add3A_12, %mul3A_37 : vector<512x128xi32>
    %slice3A = vector.extract_strided_slice %convert_element_type3A_6 {offsets = [0, 0], sizes = [512, 128], strides = [1, 1]} : vector<512x1280xi32> to vector<512x128xi32>
    %mul3A_39 = arith.constant 6 : i32
    %mul3A_40 = vector.broadcast %mul3A_39 : i32 to vector<512x128xi32>
    %mul3A_41 = arith.muli %slice3A, %mul3A_40 : vector<512x128xi32>
    %add3A_42 = arith.addi %mul3A_41, %sub3A_38 : vector<512x128xi32>
    %lt3A = arith.constant 0 : i32
    %lt3A_43 = vector.broadcast %lt3A : i32 to vector<512x128xi32>
    %lt3A_44 = arith.cmpi slt, %add3A_42, %lt3A_43 : vector<512x128xi32>
    %add3A_45 = arith.constant 128 : i32
    %add3A_46 = vector.broadcast %add3A_45 : i32 to vector<512x128xi32>
    %add3A_47 = arith.addi %add3A_42, %add3A_46 : vector<512x128xi32>
    %select_n3A_48 = arith.select %lt3A_44, %add3A_47, %add3A_42 : vector<512x128xi1>, vector<512x128xi32>
    %reshape3A = vector.shape_cast %select_n3A_48 : vector<512x128xi32> to vector<512x128x1xi32>
    %gather3A = vector.shape_cast %reshape3A : vector<512x128x1xi32> to vector<512x128xi32>
    %gather3A_49 = tpu.dynamic_gather %broadcast_in_dim3A_10[%gather3A] in [1] : vector<512x128xf32>, vector<512x128xi32> -> vector<512x128xf32>
    %swap3A = arith.constant 0 : index
    %swap3A_50 = arith.constant 0 : index
    %swap3A_51 = vector.load %arg6[%swap3A, %swap3A_50] : memref<512x1200xf32, #tpu.memory_space<vmem>>, vector<512x128xf32>
    tpu.vector_store %arg6[%swap3A, %swap3A_50], %gather3A_49 {strides = array<i32>} : memref<512x1200xf32, #tpu.memory_space<vmem>>, vector<512x128xf32>,
    %slice3A_52 = vector.extract_strided_slice %gather3A_49 {offsets = [0, 0], sizes = [512, 6], strides = [1, 1]} : vector<512x128xf32> to vector<512x6xf32>
    %iota3A_53 = tpu.iota {dimensions = array<i32: 1>} : vector<512x128xi32>
    %add3A_54 = arith.constant 128 : i32
    %add3A_55 = vector.broadcast %add3A_54 : i32 to vector<512x128xi32>
    %add3A_56 = arith.addi %iota3A_53, %add3A_55 : vector<512x128xi32>
    %jit3A_57 = arith.constant 6 : i32
    %div3A_58 = vector.broadcast %jit3A_57 : i32 to vector<512x128xi32>
    %div3A_59 = arith.divsi %add3A_56, %div3A_58 : vector<512x128xi32>
    %sign3A_60 = arith.constant 0 : i32
    %sign3A_61 = vector.broadcast %sign3A_60 : i32 to vector<512x128xi32>
    %sign3A_62 = arith.cmpi sgt, %add3A_56, %sign3A_61 : vector<512x128xi32>
    %sign3A_63 = arith.extui %sign3A_62 : vector<512x128xi1> to vector<512x128xi32>
    %sign3A_64 = arith.constant 0 : i32
    %sign3A_65 = vector.broadcast %sign3A_64 : i32 to vector<512x128xi32>
    %sign3A_66 = arith.cmpi slt, %add3A_56, %sign3A_65 : vector<512x128xi32>
    %sign3A_67 = arith.extui %sign3A_66 : vector<512x128xi1> to vector<512x128xi32>
    %sign3A_68 = arith.subi %sign3A_63, %sign3A_67 : vector<512x128xi32>
    %sign3A_69 = arith.constant 0 : i32
    %sign3A_70 = arith.cmpi sgt, %jit3A_57, %sign3A_69 : i32
    %sign3A_71 = arith.extui %sign3A_70 : i1 to i32
    %sign3A_72 = arith.constant 0 : i32
    %sign3A_73 = arith.cmpi slt, %jit3A_57, %sign3A_72 : i32
    %sign3A_74 = arith.extui %sign3A_73 : i1 to i32
    %sign3A_75 = arith.subi %sign3A_71, %sign3A_74 : i32
    %ne3A_76 = vector.broadcast %sign3A_75 : i32 to vector<512x128xi32>
    %ne3A_77 = arith.cmpi ne, %sign3A_68, %ne3A_76 : vector<512x128xi32>
    %rem3A_78 = vector.broadcast %jit3A_57 : i32 to vector<512x128xi32>
    %rem3A_79 = arith.remsi %add3A_56, %rem3A_78 : vector<512x128xi32>
    %ne3A_80 = arith.constant 0 : i32
    %ne3A_81 = vector.broadcast %ne3A_80 : i32 to vector<512x128xi32>
    %ne3A_82 = arith.cmpi ne, %rem3A_79, %ne3A_81 : vector<512x128xi32>
    %and3A_83 = arith.andi %ne3A_77, %ne3A_82 : vector<512x128xi1>
    %sub3A_84 = arith.constant 1 : i32
    %sub3A_85 = vector.broadcast %sub3A_84 : i32 to vector<512x128xi32>
    %sub3A_86 = arith.subi %div3A_59, %sub3A_85 : vector<512x128xi32>
    %select_n3A_87 = arith.select %and3A_83, %sub3A_86, %div3A_59 : vector<512x128xi1>, vector<512x128xi32>
    %mul3A_88 = arith.constant 6 : i32
    %mul3A_89 = vector.broadcast %mul3A_88 : i32 to vector<512x128xi32>
    %mul3A_90 = arith.muli %mul3A_89, %select_n3A_87 : vector<512x128xi32>
    %sub3A_91 = arith.subi %add3A_56, %mul3A_90 : vector<512x128xi32>
    %slice3A_92 = vector.extract_strided_slice %convert_element_type3A_6 {offsets = [0, 128], sizes = [512, 128], strides = [1, 1]} : vector<512x1280xi32> to vector<512x128xi32>
    %mul3A_93 = arith.constant 6 : i32
    %mul3A_94 = vector.broadcast %mul3A_93 : i32 to vector<512x128xi32>
    %mul3A_95 = arith.muli %slice3A_92, %mul3A_94 : vector<512x128xi32>
    %add3A_96 = arith.addi %mul3A_95, %sub3A_91 : vector<512x128xi32>
    %lt3A_97 = arith.constant 0 : i32
    %lt3A_98 = vector.broadcast %lt3A_97 : i32 to vector<512x128xi32>
    %lt3A_99 = arith.cmpi slt, %add3A_96, %lt3A_98 : vector<512x128xi32>
    %add3A_100 = arith.constant 128 : i32
    %add3A_101 = vector.broadcast %add3A_100 : i32 to vector<512x128xi32>
    %add3A_102 = arith.addi %add3A_96, %add3A_101 : vector<512x128xi32>
    %select_n3A_103 = arith.select %lt3A_99, %add3A_102, %add3A_96 : vector<512x128xi1>, vector<512x128xi32>
    %reshape3A_104 = vector.shape_cast %select_n3A_103 : vector<512x128xi32> to vector<512x128x1xi32>
    %gather3A_105 = vector.shape_cast %reshape3A_104 : vector<512x128x1xi32> to vector<512x128xi32>
    %gather3A_106 = tpu.dynamic_gather %broadcast_in_dim3A_10[%gather3A_105] in [1] : vector<512x128xf32>, vector<512x128xi32> -> vector<512x128xf32>
    %swap3A_107 = arith.constant 0 : index
    %swap3A_108 = arith.constant 128 : index
    %swap3A_109 = vector.load %arg6[%swap3A_107, %swap3A_108] : memref<512x1200xf32, #tpu.memory_space<vmem>>, vector<512x128xf32>
    tpu.vector_store %arg6[%swap3A_107, %swap3A_108], %gather3A_106 {strides = array<i32>} : memref<512x1200xf32, #tpu.memory_space<vmem>>, vector<512x128xf32>,
    %iota3A_110 = tpu.iota {dimensions = array<i32: 1>} : vector<512x128xi32>
    %add3A_111 = arith.constant 256 : i32
    %add3A_112 = vector.broadcast %add3A_111 : i32 to vector<512x128xi32>
    %add3A_113 = arith.addi %iota3A_110, %add3A_112 : vector<512x128xi32>
    %jit3A_114 = arith.constant 6 : i32
    %div3A_115 = vector.broadcast %jit3A_114 : i32 to vector<512x128xi32>
    %div3A_116 = arith.divsi %add3A_113, %div3A_115 : vector<512x128xi32>
    %sign3A_117 = arith.constant 0 : i32
    %sign3A_118 = vector.broadcast %sign3A_117 : i32 to vector<512x128xi32>
    %sign3A_119 = arith.cmpi sgt, %add3A_113, %sign3A_118 : vector<512x128xi32>
    %sign3A_120 = arith.extui %sign3A_119 : vector<512x128xi1> to vector<512x128xi32>
    %sign3A_121 = arith.constant 0 : i32
    %sign3A_122 = vector.broadcast %sign3A_121 : i32 to vector<512x128xi32>
    %sign3A_123 = arith.cmpi slt, %add3A_113, %sign3A_122 : vector<512x128xi32>
    %sign3A_124 = arith.extui %sign3A_123 : vector<512x128xi1> to vector<512x128xi32>
    %sign3A_125 = arith.subi %sign3A_120, %sign3A_124 : vector<512x128xi32>
    %sign3A_126 = arith.constant 0 : i32
    %sign3A_127 = arith.cmpi sgt, %jit3A_114, %sign3A_126 : i32
    %sign3A_128 = arith.extui %sign3A_127 : i1 to i32
    %sign3A_129 = arith.constant 0 : i32
    %sign3A_130 = arith.cmpi slt, %jit3A_114, %sign3A_129 : i32
    %sign3A_131 = arith.extui %sign3A_130 : i1 to i32
    %sign3A_132 = arith.subi %sign3A_128, %sign3A_131 : i32
    %ne3A_133 = vector.broadcast %sign3A_132 : i32 to vector<512x128xi32>
    %ne3A_134 = arith.cmpi ne, %sign3A_125, %ne3A_133 : vector<512x128xi32>
    %rem3A_135 = vector.broadcast %jit3A_114 : i32 to vector<512x128xi32>
    %rem3A_136 = arith.remsi %add3A_113, %rem3A_135 : vector<512x128xi32>
    %ne3A_137 = arith.constant 0 : i32
    %ne3A_138 = vector.broadcast %ne3A_137 : i32 to vector<512x128xi32>
    %ne3A_139 = arith.cmpi ne, %rem3A_136, %ne3A_138 : vector<512x128xi32>
    %and3A_140 = arith.andi %ne3A_134, %ne3A_139 : vector<512x128xi1>
    %sub3A_141 = arith.constant 1 : i32
    %sub3A_142 = vector.broadcast %sub3A_141 : i32 to vector<512x128xi32>
    %sub3A_143 = arith.subi %div3A_116, %sub3A_142 : vector<512x128xi32>
    %select_n3A_144 = arith.select %and3A_140, %sub3A_143, %div3A_116 : vector<512x128xi1>, vector<512x128xi32>
    %mul3A_145 = arith.constant 6 : i32
    %mul3A_146 = vector.broadcast %mul3A_145 : i32 to vector<512x128xi32>
    %mul3A_147 = arith.muli %mul3A_146, %select_n3A_144 : vector<512x128xi32>
    %sub3A_148 = arith.subi %add3A_113, %mul3A_147 : vector<512x128xi32>
    %slice3A_149 = vector.extract_strided_slice %convert_element_type3A_6 {offsets = [0, 256], sizes = [512, 128], strides = [1, 1]} : vector<512x1280xi32> to vector<512x128xi32>
    %mul3A_150 = arith.constant 6 : i32
    %mul3A_151 = vector.broadcast %mul3A_150 : i32 to vector<512x128xi32>
    %mul3A_152 = arith.muli %slice3A_149, %mul3A_151 : vector<512x128xi32>
    %add3A_153 = arith.addi %mul3A_152, %sub3A_148 : vector<512x128xi32>
    %lt3A_154 = arith.constant 0 : i32
    %lt3A_155 = vector.broadcast %lt3A_154 : i32 to vector<512x128xi32>
    %lt3A_156 = arith.cmpi slt, %add3A_153, %lt3A_155 : vector<512x128xi32>
    %add3A_157 = arith.constant 128 : i32
    %add3A_158 = vector.broadcast %add3A_157 : i32 to vector<512x128xi32>
    %add3A_159 = arith.addi %add3A_153, %add3A_158 : vector<512x128xi32>
    %select_n3A_160 = arith.select %lt3A_156, %add3A_159, %add3A_153 : vector<512x128xi1>, vector<512x128xi32>
    %reshape3A_161 = vector.shape_cast %select_n3A_160 : vector<512x128xi32> to vector<512x128x1xi32>
    %gather3A_162 = vector.shape_cast %reshape3A_161 : vector<512x128x1xi32> to vector<512x128xi32>
    %gather3A_163 = tpu.dynamic_gather %broadcast_in_dim3A_10[%gather3A_162] in [1] : vector<512x128xf32>, vector<512x128xi32> -> vector<512x128xf32>
    %swap3A_164 = arith.constant 0 : index
    %swap3A_165 = arith.constant 256 : index
    %swap3A_166 = vector.load %arg6[%swap3A_164, %swap3A_165] : memref<512x1200xf32, #tpu.memory_space<vmem>>, vector<512x128xf32>
    tpu.vector_store %arg6[%swap3A_164, %swap3A_165], %gather3A_163 {strides = array<i32>} : memref<512x1200xf32, #tpu.memory_space<vmem>>, vector<512x128xf32>,
    %iota3A_167 = tpu.iota {dimensions = array<i32: 1>} : vector<512x128xi32>
    %add3A_168 = arith.constant 384 : i32
    %add3A_169 = vector.broadcast %add3A_168 : i32 to vector<512x128xi32>
    %add3A_170 = arith.addi %iota3A_167, %add3A_169 : vector<512x128xi32>
    %jit3A_171 = arith.constant 6 : i32
    %div3A_172 = vector.broadcast %jit3A_171 : i32 to vector<512x128xi32>
    %div3A_173 = arith.divsi %add3A_170, %div3A_172 : vector<512x128xi32>
    %sign3A_174 = arith.constant 0 : i32
    %sign3A_175 = vector.broadcast %sign3A_174 : i32 to vector<512x128xi32>
    %sign3A_176 = arith.cmpi sgt, %add3A_170, %sign3A_175 : vector<512x128xi32>
    %sign3A_177 = arith.extui %sign3A_176 : vector<512x128xi1> to vector<512x128xi32>
    %sign3A_178 = arith.constant 0 : i32
    %sign3A_179 = vector.broadcast %sign3A_178 : i32 to vector<512x128xi32>
    %sign3A_180 = arith.cmpi slt, %add3A_170, %sign3A_179 : vector<512x128xi32>
    %sign3A_181 = arith.extui %sign3A_180 : vector<512x128xi1> to vector<512x128xi32>
    %sign3A_182 = arith.subi %sign3A_177, %sign3A_181 : vector<512x128xi32>
    %sign3A_183 = arith.constant 0 : i32
    %sign3A_184 = arith.cmpi sgt, %jit3A_171, %sign3A_183 : i32
    %sign3A_185 = arith.extui %sign3A_184 : i1 to i32
    %sign3A_186 = arith.constant 0 : i32
    %sign3A_187 = arith.cmpi slt, %jit3A_171, %sign3A_186 : i32
    %sign3A_188 = arith.extui %sign3A_187 : i1 to i32
    %sign3A_189 = arith.subi %sign3A_185, %sign3A_188 : i32
    %ne3A_190 = vector.broadcast %sign3A_189 : i32 to vector<512x128xi32>
    %ne3A_191 = arith.cmpi ne, %sign3A_182, %ne3A_190 : vector<512x128xi32>
    %rem3A_192 = vector.broadcast %jit3A_171 : i32 to vector<512x128xi32>
    %rem3A_193 = arith.remsi %add3A_170, %rem3A_192 : vector<512x128xi32>
    %ne3A_194 = arith.constant 0 : i32
    %ne3A_195 = vector.broadcast %ne3A_194 : i32 to vector<512x128xi32>
    %ne3A_196 = arith.cmpi ne, %rem3A_193, %ne3A_195 : vector<512x128xi32>
    %and3A_197 = arith.andi %ne3A_191, %ne3A_196 : vector<512x128xi1>
    %sub3A_198 = arith.constant 1 : i32
    %sub3A_199 = vector.broadcast %sub3A_198 : i32 to vector<512x128xi32>
    %sub3A_200 = arith.subi %div3A_173, %sub3A_199 : vector<512x128xi32>
    %select_n3A_201 = arith.select %and3A_197, %sub3A_200, %div3A_173 : vector<512x128xi1>, vector<512x128xi32>
    %mul3A_202 = arith.constant 6 : i32
    %mul3A_203 = vector.broadcast %mul3A_202 : i32 to vector<512x128xi32>
    %mul3A_204 = arith.muli %mul3A_203, %select_n3A_201 : vector<512x128xi32>
    %sub3A_205 = arith.subi %add3A_170, %mul3A_204 : vector<512x128xi32>
    %slice3A_206 = vector.extract_strided_slice %convert_element_type3A_6 {offsets = [0, 384], sizes = [512, 128], strides = [1, 1]} : vector<512x1280xi32> to vector<512x128xi32>
    %mul3A_207 = arith.constant 6 : i32
    %mul3A_208 = vector.broadcast %mul3A_207 : i32 to vector<512x128xi32>
    %mul3A_209 = arith.muli %slice3A_206, %mul3A_208 : vector<512x128xi32>
    %add3A_210 = arith.addi %mul3A_209, %sub3A_205 : vector<512x128xi32>
    %lt3A_211 = arith.constant 0 : i32
    %lt3A_212 = vector.broadcast %lt3A_211 : i32 to vector<512x128xi32>
    %lt3A_213 = arith.cmpi slt, %add3A_210, %lt3A_212 : vector<512x128xi32>
    %add3A_214 = arith.constant 128 : i32
    %add3A_215 = vector.broadcast %add3A_214 : i32 to vector<512x128xi32>
    %add3A_216 = arith.addi %add3A_210, %add3A_215 : vector<512x128xi32>
    %select_n3A_217 = arith.select %lt3A_213, %add3A_216, %add3A_210 : vector<512x128xi1>, vector<512x128xi32>
    %reshape3A_218 = vector.shape_cast %select_n3A_217 : vector<512x128xi32> to vector<512x128x1xi32>
    %gather3A_219 = vector.shape_cast %reshape3A_218 : vector<512x128x1xi32> to vector<512x128xi32>
    %gather3A_220 = tpu.dynamic_gather %broadcast_in_dim3A_10[%gather3A_219] in [1] : vector<512x128xf32>, vector<512x128xi32> -> vector<512x128xf32>
    %swap3A_221 = arith.constant 0 : index
    %swap3A_222 = arith.constant 384 : index
    %swap3A_223 = vector.load %arg6[%swap3A_221, %swap3A_222] : memref<512x1200xf32, #tpu.memory_space<vmem>>, vector<512x128xf32>
    tpu.vector_store %arg6[%swap3A_221, %swap3A_222], %gather3A_220 {strides = array<i32>} : memref<512x1200xf32, #tpu.memory_space<vmem>>, vector<512x128xf32>,
    %iota3A_224 = tpu.iota {dimensions = array<i32: 1>} : vector<512x128xi32>
    %add3A_225 = arith.constant 512 : i32
    %add3A_226 = vector.broadcast %add3A_225 : i32 to vector<512x128xi32>
    %add3A_227 = arith.addi %iota3A_224, %add3A_226 : vector<512x128xi32>
    %jit3A_228 = arith.constant 6 : i32
    %div3A_229 = vector.broadcast %jit3A_228 : i32 to vector<512x128xi32>
    %div3A_230 = arith.divsi %add3A_227, %div3A_229 : vector<512x128xi32>
    %sign3A_231 = arith.constant 0 : i32
    %sign3A_232 = vector.broadcast %sign3A_231 : i32 to vector<512x128xi32>
    %sign3A_233 = arith.cmpi sgt, %add3A_227, %sign3A_232 : vector<512x128xi32>
    %sign3A_234 = arith.extui %sign3A_233 : vector<512x128xi1> to vector<512x128xi32>
    %sign3A_235 = arith.constant 0 : i32
    %sign3A_236 = vector.broadcast %sign3A_235 : i32 to vector<512x128xi32>
    %sign3A_237 = arith.cmpi slt, %add3A_227, %sign3A_236 : vector<512x128xi32>
    %sign3A_238 = arith.extui %sign3A_237 : vector<512x128xi1> to vector<512x128xi32>
    %sign3A_239 = arith.subi %sign3A_234, %sign3A_238 : vector<512x128xi32>
    %sign3A_240 = arith.constant 0 : i32
    %sign3A_241 = arith.cmpi sgt, %jit3A_228, %sign3A_240 : i32
    %sign3A_242 = arith.extui %sign3A_241 : i1 to i32
    %sign3A_243 = arith.constant 0 : i32
    %sign3A_244 = arith.cmpi slt, %jit3A_228, %sign3A_243 : i32
    %sign3A_245 = arith.extui %sign3A_244 : i1 to i32
    %sign3A_246 = arith.subi %sign3A_242, %sign3A_245 : i32
    %ne3A_247 = vector.broadcast %sign3A_246 : i32 to vector<512x128xi32>
    %ne3A_248 = arith.cmpi ne, %sign3A_239, %ne3A_247 : vector<512x128xi32>
    %rem3A_249 = vector.broadcast %jit3A_228 : i32 to vector<512x128xi32>
    %rem3A_250 = arith.remsi %add3A_227, %rem3A_249 : vector<512x128xi32>
    %ne3A_251 = arith.constant 0 : i32
    %ne3A_252 = vector.broadcast %ne3A_251 : i32 to vector<512x128xi32>
    %ne3A_253 = arith.cmpi ne, %rem3A_250, %ne3A_252 : vector<512x128xi32>
    %and3A_254 = arith.andi %ne3A_248, %ne3A_253 : vector<512x128xi1>
    %sub3A_255 = arith.constant 1 : i32
    %sub3A_256 = vector.broadcast %sub3A_255 : i32 to vector<512x128xi32>
    %sub3A_257 = arith.subi %div3A_230, %sub3A_256 : vector<512x128xi32>
    %select_n3A_258 = arith.select %and3A_254, %sub3A_257, %div3A_230 : vector<512x128xi1>, vector<512x128xi32>
    %mul3A_259 = arith.constant 6 : i32
    %mul3A_260 = vector.broadcast %mul3A_259 : i32 to vector<512x128xi32>
    %mul3A_261 = arith.muli %mul3A_260, %select_n3A_258 : vector<512x128xi32>
    %sub3A_262 = arith.subi %add3A_227, %mul3A_261 : vector<512x128xi32>
    %slice3A_263 = vector.extract_strided_slice %convert_element_type3A_6 {offsets = [0, 512], sizes = [512, 128], strides = [1, 1]} : vector<512x1280xi32> to vector<512x128xi32>
    %mul3A_264 = arith.constant 6 : i32
    %mul3A_265 = vector.broadcast %mul3A_264 : i32 to vector<512x128xi32>
    %mul3A_266 = arith.muli %slice3A_263, %mul3A_265 : vector<512x128xi32>
    %add3A_267 = arith.addi %mul3A_266, %sub3A_262 : vector<512x128xi32>
    %lt3A_268 = arith.constant 0 : i32
    %lt3A_269 = vector.broadcast %lt3A_268 : i32 to vector<512x128xi32>
    %lt3A_270 = arith.cmpi slt, %add3A_267, %lt3A_269 : vector<512x128xi32>
    %add3A_271 = arith.constant 128 : i32
    %add3A_272 = vector.broadcast %add3A_271 : i32 to vector<512x128xi32>
    %add3A_273 = arith.addi %add3A_267, %add3A_272 : vector<512x128xi32>
    %select_n3A_274 = arith.select %lt3A_270, %add3A_273, %add3A_267 : vector<512x128xi1>, vector<512x128xi32>
    %reshape3A_275 = vector.shape_cast %select_n3A_274 : vector<512x128xi32> to vector<512x128x1xi32>
    %gather3A_276 = vector.shape_cast %reshape3A_275 : vector<512x128x1xi32> to vector<512x128xi32>
    %gather3A_277 = tpu.dynamic_gather %broadcast_in_dim3A_10[%gather3A_276] in [1] : vector<512x128xf32>, vector<512x128xi32> -> vector<512x128xf32>
    %swap3A_278 = arith.constant 0 : index
    %swap3A_279 = arith.constant 512 : index
    %swap3A_280 = vector.load %arg6[%swap3A_278, %swap3A_279] : memref<512x1200xf32, #tpu.memory_space<vmem>>, vector<512x128xf32>
    tpu.vector_store %arg6[%swap3A_278, %swap3A_279], %gather3A_277 {strides = array<i32>} : memref<512x1200xf32, #tpu.memory_space<vmem>>, vector<512x128xf32>,
    %iota3A_281 = tpu.iota {dimensions = array<i32: 1>} : vector<512x128xi32>
    %add3A_282 = arith.constant 640 : i32
    %add3A_283 = vector.broadcast %add3A_282 : i32 to vector<512x128xi32>
    %add3A_284 = arith.addi %iota3A_281, %add3A_283 : vector<512x128xi32>
    %jit3A_285 = arith.constant 6 : i32
    %div3A_286 = vector.broadcast %jit3A_285 : i32 to vector<512x128xi32>
    %div3A_287 = arith.divsi %add3A_284, %div3A_286 : vector<512x128xi32>
    %sign3A_288 = arith.constant 0 : i32
    %sign3A_289 = vector.broadcast %sign3A_288 : i32 to vector<512x128xi32>
    %sign3A_290 = arith.cmpi sgt, %add3A_284, %sign3A_289 : vector<512x128xi32>
    %sign3A_291 = arith.extui %sign3A_290 : vector<512x128xi1> to vector<512x128xi32>
    %sign3A_292 = arith.constant 0 : i32
    %sign3A_293 = vector.broadcast %sign3A_292 : i32 to vector<512x128xi32>
    %sign3A_294 = arith.cmpi slt, %add3A_284, %sign3A_293 : vector<512x128xi32>
    %sign3A_295 = arith.extui %sign3A_294 : vector<512x128xi1> to vector<512x128xi32>
    %sign3A_296 = arith.subi %sign3A_291, %sign3A_295 : vector<512x128xi32>
    %sign3A_297 = arith.constant 0 : i32
    %sign3A_298 = arith.cmpi sgt, %jit3A_285, %sign3A_297 : i32
    %sign3A_299 = arith.extui %sign3A_298 : i1 to i32
    %sign3A_300 = arith.constant 0 : i32
    %sign3A_301 = arith.cmpi slt, %jit3A_285, %sign3A_300 : i32
    %sign3A_302 = arith.extui %sign3A_301 : i1 to i32
    %sign3A_303 = arith.subi %sign3A_299, %sign3A_302 : i32
    %ne3A_304 = vector.broadcast %sign3A_303 : i32 to vector<512x128xi32>
    %ne3A_305 = arith.cmpi ne, %sign3A_296, %ne3A_304 : vector<512x128xi32>
    %rem3A_306 = vector.broadcast %jit3A_285 : i32 to vector<512x128xi32>
    %rem3A_307 = arith.remsi %add3A_284, %rem3A_306 : vector<512x128xi32>
    %ne3A_308 = arith.constant 0 : i32
    %ne3A_309 = vector.broadcast %ne3A_308 : i32 to vector<512x128xi32>
    %ne3A_310 = arith.cmpi ne, %rem3A_307, %ne3A_309 : vector<512x128xi32>
    %and3A_311 = arith.andi %ne3A_305, %ne3A_310 : vector<512x128xi1>
    %sub3A_312 = arith.constant 1 : i32
    %sub3A_313 = vector.broadcast %sub3A_312 : i32 to vector<512x128xi32>
    %sub3A_314 = arith.subi %div3A_287, %sub3A_313 : vector<512x128xi32>
    %select_n3A_315 = arith.select %and3A_311, %sub3A_314, %div3A_287 : vector<512x128xi1>, vector<512x128xi32>
    %mul3A_316 = arith.constant 6 : i32
    %mul3A_317 = vector.broadcast %mul3A_316 : i32 to vector<512x128xi32>
    %mul3A_318 = arith.muli %mul3A_317, %select_n3A_315 : vector<512x128xi32>
    %sub3A_319 = arith.subi %add3A_284, %mul3A_318 : vector<512x128xi32>
    %slice3A_320 = vector.extract_strided_slice %convert_element_type3A_6 {offsets = [0, 640], sizes = [512, 128], strides = [1, 1]} : vector<512x1280xi32> to vector<512x128xi32>
    %mul3A_321 = arith.constant 6 : i32
    %mul3A_322 = vector.broadcast %mul3A_321 : i32 to vector<512x128xi32>
    %mul3A_323 = arith.muli %slice3A_320, %mul3A_322 : vector<512x128xi32>
    %add3A_324 = arith.addi %mul3A_323, %sub3A_319 : vector<512x128xi32>
    %lt3A_325 = arith.constant 0 : i32
    %lt3A_326 = vector.broadcast %lt3A_325 : i32 to vector<512x128xi32>
    %lt3A_327 = arith.cmpi slt, %add3A_324, %lt3A_326 : vector<512x128xi32>
    %add3A_328 = arith.constant 128 : i32
    %add3A_329 = vector.broadcast %add3A_328 : i32 to vector<512x128xi32>
    %add3A_330 = arith.addi %add3A_324, %add3A_329 : vector<512x128xi32>
    %select_n3A_331 = arith.select %lt3A_327, %add3A_330, %add3A_324 : vector<512x128xi1>, vector<512x128xi32>
    %reshape3A_332 = vector.shape_cast %select_n3A_331 : vector<512x128xi32> to vector<512x128x1xi32>
    %gather3A_333 = vector.shape_cast %reshape3A_332 : vector<512x128x1xi32> to vector<512x128xi32>
    %gather3A_334 = tpu.dynamic_gather %broadcast_in_dim3A_10[%gather3A_333] in [1] : vector<512x128xf32>, vector<512x128xi32> -> vector<512x128xf32>
    %swap3A_335 = arith.constant 0 : index
    %swap3A_336 = arith.constant 640 : index
    %swap3A_337 = vector.load %arg6[%swap3A_335, %swap3A_336] : memref<512x1200xf32, #tpu.memory_space<vmem>>, vector<512x128xf32>
    tpu.vector_store %arg6[%swap3A_335, %swap3A_336], %gather3A_334 {strides = array<i32>} : memref<512x1200xf32, #tpu.memory_space<vmem>>, vector<512x128xf32>,
    %iota3A_338 = tpu.iota {dimensions = array<i32: 1>} : vector<512x128xi32>
    %add3A_339 = arith.constant 768 : i32
    %add3A_340 = vector.broadcast %add3A_339 : i32 to vector<512x128xi32>
    %add3A_341 = arith.addi %iota3A_338, %add3A_340 : vector<512x128xi32>
    %jit3A_342 = arith.constant 6 : i32
    %div3A_343 = vector.broadcast %jit3A_342 : i32 to vector<512x128xi32>
    %div3A_344 = arith.divsi %add3A_341, %div3A_343 : vector<512x128xi32>
    %sign3A_345 = arith.constant 0 : i32
    %sign3A_346 = vector.broadcast %sign3A_345 : i32 to vector<512x128xi32>
    %sign3A_347 = arith.cmpi sgt, %add3A_341, %sign3A_346 : vector<512x128xi32>
    %sign3A_348 = arith.extui %sign3A_347 : vector<512x128xi1> to vector<512x128xi32>
    %sign3A_349 = arith.constant 0 : i32
    %sign3A_350 = vector.broadcast %sign3A_349 : i32 to vector<512x128xi32>
    %sign3A_351 = arith.cmpi slt, %add3A_341, %sign3A_350 : vector<512x128xi32>
    %sign3A_352 = arith.extui %sign3A_351 : vector<512x128xi1> to vector<512x128xi32>
    %sign3A_353 = arith.subi %sign3A_348, %sign3A_352 : vector<512x128xi32>
    %sign3A_354 = arith.constant 0 : i32
    %sign3A_355 = arith.cmpi sgt, %jit3A_342, %sign3A_354 : i32
    %sign3A_356 = arith.extui %sign3A_355 : i1 to i32
    %sign3A_357 = arith.constant 0 : i32
    %sign3A_358 = arith.cmpi slt, %jit3A_342, %sign3A_357 : i32
    %sign3A_359 = arith.extui %sign3A_358 : i1 to i32
    %sign3A_360 = arith.subi %sign3A_356, %sign3A_359 : i32
    %ne3A_361 = vector.broadcast %sign3A_360 : i32 to vector<512x128xi32>
    %ne3A_362 = arith.cmpi ne, %sign3A_353, %ne3A_361 : vector<512x128xi32>
    %rem3A_363 = vector.broadcast %jit3A_342 : i32 to vector<512x128xi32>
    %rem3A_364 = arith.remsi %add3A_341, %rem3A_363 : vector<512x128xi32>
    %ne3A_365 = arith.constant 0 : i32
    %ne3A_366 = vector.broadcast %ne3A_365 : i32 to vector<512x128xi32>
    %ne3A_367 = arith.cmpi ne, %rem3A_364, %ne3A_366 : vector<512x128xi32>
    %and3A_368 = arith.andi %ne3A_362, %ne3A_367 : vector<512x128xi1>
    %sub3A_369 = arith.constant 1 : i32
    %sub3A_370 = vector.broadcast %sub3A_369 : i32 to vector<512x128xi32>
    %sub3A_371 = arith.subi %div3A_344, %sub3A_370 : vector<512x128xi32>
    %select_n3A_372 = arith.select %and3A_368, %sub3A_371, %div3A_344 : vector<512x128xi1>, vector<512x128xi32>
    %mul3A_373 = arith.constant 6 : i32
    %mul3A_374 = vector.broadcast %mul3A_373 : i32 to vector<512x128xi32>
    %mul3A_375 = arith.muli %mul3A_374, %select_n3A_372 : vector<512x128xi32>
    %sub3A_376 = arith.subi %add3A_341, %mul3A_375 : vector<512x128xi32>
    %slice3A_377 = vector.extract_strided_slice %convert_element_type3A_6 {offsets = [0, 768], sizes = [512, 128], strides = [1, 1]} : vector<512x1280xi32> to vector<512x128xi32>
    %mul3A_378 = arith.constant 6 : i32
    %mul3A_379 = vector.broadcast %mul3A_378 : i32 to vector<512x128xi32>
    %mul3A_380 = arith.muli %slice3A_377, %mul3A_379 : vector<512x128xi32>
    %add3A_381 = arith.addi %mul3A_380, %sub3A_376 : vector<512x128xi32>
    %lt3A_382 = arith.constant 0 : i32
    %lt3A_383 = vector.broadcast %lt3A_382 : i32 to vector<512x128xi32>
    %lt3A_384 = arith.cmpi slt, %add3A_381, %lt3A_383 : vector<512x128xi32>
    %add3A_385 = arith.constant 128 : i32
    %add3A_386 = vector.broadcast %add3A_385 : i32 to vector<512x128xi32>
    %add3A_387 = arith.addi %add3A_381, %add3A_386 : vector<512x128xi32>
    %select_n3A_388 = arith.select %lt3A_384, %add3A_387, %add3A_381 : vector<512x128xi1>, vector<512x128xi32>
    %reshape3A_389 = vector.shape_cast %select_n3A_388 : vector<512x128xi32> to vector<512x128x1xi32>
    %gather3A_390 = vector.shape_cast %reshape3A_389 : vector<512x128x1xi32> to vector<512x128xi32>
    %gather3A_391 = tpu.dynamic_gather %broadcast_in_dim3A_10[%gather3A_390] in [1] : vector<512x128xf32>, vector<512x128xi32> -> vector<512x128xf32>
    %swap3A_392 = arith.constant 0 : index
    %swap3A_393 = arith.constant 768 : index
    %swap3A_394 = vector.load %arg6[%swap3A_392, %swap3A_393] : memref<512x1200xf32, #tpu.memory_space<vmem>>, vector<512x128xf32>
    tpu.vector_store %arg6[%swap3A_392, %swap3A_393], %gather3A_391 {strides = array<i32>} : memref<512x1200xf32, #tpu.memory_space<vmem>>, vector<512x128xf32>,
    %iota3A_395 = tpu.iota {dimensions = array<i32: 1>} : vector<512x128xi32>
    %add3A_396 = arith.constant 896 : i32
    %add3A_397 = vector.broadcast %add3A_396 : i32 to vector<512x128xi32>
    %add3A_398 = arith.addi %iota3A_395, %add3A_397 : vector<512x128xi32>
    %jit3A_399 = arith.constant 6 : i32
    %div3A_400 = vector.broadcast %jit3A_399 : i32 to vector<512x128xi32>
    %div3A_401 = arith.divsi %add3A_398, %div3A_400 : vector<512x128xi32>
    %sign3A_402 = arith.constant 0 : i32
    %sign3A_403 = vector.broadcast %sign3A_402 : i32 to vector<512x128xi32>
    %sign3A_404 = arith.cmpi sgt, %add3A_398, %sign3A_403 : vector<512x128xi32>
    %sign3A_405 = arith.extui %sign3A_404 : vector<512x128xi1> to vector<512x128xi32>
    %sign3A_406 = arith.constant 0 : i32
    %sign3A_407 = vector.broadcast %sign3A_406 : i32 to vector<512x128xi32>
    %sign3A_408 = arith.cmpi slt, %add3A_398, %sign3A_407 : vector<512x128xi32>
    %sign3A_409 = arith.extui %sign3A_408 : vector<512x128xi1> to vector<512x128xi32>
    %sign3A_410 = arith.subi %sign3A_405, %sign3A_409 : vector<512x128xi32>
    %sign3A_411 = arith.constant 0 : i32
    %sign3A_412 = arith.cmpi sgt, %jit3A_399, %sign3A_411 : i32
    %sign3A_413 = arith.extui %sign3A_412 : i1 to i32
    %sign3A_414 = arith.constant 0 : i32
    %sign3A_415 = arith.cmpi slt, %jit3A_399, %sign3A_414 : i32
    %sign3A_416 = arith.extui %sign3A_415 : i1 to i32
    %sign3A_417 = arith.subi %sign3A_413, %sign3A_416 : i32
    %ne3A_418 = vector.broadcast %sign3A_417 : i32 to vector<512x128xi32>
    %ne3A_419 = arith.cmpi ne, %sign3A_410, %ne3A_418 : vector<512x128xi32>
    %rem3A_420 = vector.broadcast %jit3A_399 : i32 to vector<512x128xi32>
    %rem3A_421 = arith.remsi %add3A_398, %rem3A_420 : vector<512x128xi32>
    %ne3A_422 = arith.constant 0 : i32
    %ne3A_423 = vector.broadcast %ne3A_422 : i32 to vector<512x128xi32>
    %ne3A_424 = arith.cmpi ne, %rem3A_421, %ne3A_423 : vector<512x128xi32>
    %and3A_425 = arith.andi %ne3A_419, %ne3A_424 : vector<512x128xi1>
    %sub3A_426 = arith.constant 1 : i32
    %sub3A_427 = vector.broadcast %sub3A_426 : i32 to vector<512x128xi32>
    %sub3A_428 = arith.subi %div3A_401, %sub3A_427 : vector<512x128xi32>
    %select_n3A_429 = arith.select %and3A_425, %sub3A_428, %div3A_401 : vector<512x128xi1>, vector<512x128xi32>
    %mul3A_430 = arith.constant 6 : i32
    %mul3A_431 = vector.broadcast %mul3A_430 : i32 to vector<512x128xi32>
    %mul3A_432 = arith.muli %mul3A_431, %select_n3A_429 : vector<512x128xi32>
    %sub3A_433 = arith.subi %add3A_398, %mul3A_432 : vector<512x128xi32>
    %slice3A_434 = vector.extract_strided_slice %convert_element_type3A_6 {offsets = [0, 896], sizes = [512, 128], strides = [1, 1]} : vector<512x1280xi32> to vector<512x128xi32>
    %mul3A_435 = arith.constant 6 : i32
    %mul3A_436 = vector.broadcast %mul3A_435 : i32 to vector<512x128xi32>
    %mul3A_437 = arith.muli %slice3A_434, %mul3A_436 : vector<512x128xi32>
    %add3A_438 = arith.addi %mul3A_437, %sub3A_433 : vector<512x128xi32>
    %lt3A_439 = arith.constant 0 : i32
    %lt3A_440 = vector.broadcast %lt3A_439 : i32 to vector<512x128xi32>
    %lt3A_441 = arith.cmpi slt, %add3A_438, %lt3A_440 : vector<512x128xi32>
    %add3A_442 = arith.constant 128 : i32
    %add3A_443 = vector.broadcast %add3A_442 : i32 to vector<512x128xi32>
    %add3A_444 = arith.addi %add3A_438, %add3A_443 : vector<512x128xi32>
    %select_n3A_445 = arith.select %lt3A_441, %add3A_444, %add3A_438 : vector<512x128xi1>, vector<512x128xi32>
    %reshape3A_446 = vector.shape_cast %select_n3A_445 : vector<512x128xi32> to vector<512x128x1xi32>
    %gather3A_447 = vector.shape_cast %reshape3A_446 : vector<512x128x1xi32> to vector<512x128xi32>
    %gather3A_448 = tpu.dynamic_gather %broadcast_in_dim3A_10[%gather3A_447] in [1] : vector<512x128xf32>, vector<512x128xi32> -> vector<512x128xf32>
    %swap3A_449 = arith.constant 0 : index
    %swap3A_450 = arith.constant 896 : index
    %swap3A_451 = vector.load %arg6[%swap3A_449, %swap3A_450] : memref<512x1200xf32, #tpu.memory_space<vmem>>, vector<512x128xf32>
    tpu.vector_store %arg6[%swap3A_449, %swap3A_450], %gather3A_448 {strides = array<i32>} : memref<512x1200xf32, #tpu.memory_space<vmem>>, vector<512x128xf32>,
    %iota3A_452 = tpu.iota {dimensions = array<i32: 1>} : vector<512x128xi32>
    %add3A_453 = arith.constant 1024 : i32
    %add3A_454 = vector.broadcast %add3A_453 : i32 to vector<512x128xi32>
    %add3A_455 = arith.addi %iota3A_452, %add3A_454 : vector<512x128xi32>
    %jit3A_456 = arith.constant 6 : i32
    %div3A_457 = vector.broadcast %jit3A_456 : i32 to vector<512x128xi32>
    %div3A_458 = arith.divsi %add3A_455, %div3A_457 : vector<512x128xi32>
    %sign3A_459 = arith.constant 0 : i32
    %sign3A_460 = vector.broadcast %sign3A_459 : i32 to vector<512x128xi32>
    %sign3A_461 = arith.cmpi sgt, %add3A_455, %sign3A_460 : vector<512x128xi32>
    %sign3A_462 = arith.extui %sign3A_461 : vector<512x128xi1> to vector<512x128xi32>
    %sign3A_463 = arith.constant 0 : i32
    %sign3A_464 = vector.broadcast %sign3A_463 : i32 to vector<512x128xi32>
    %sign3A_465 = arith.cmpi slt, %add3A_455, %sign3A_464 : vector<512x128xi32>
    %sign3A_466 = arith.extui %sign3A_465 : vector<512x128xi1> to vector<512x128xi32>
    %sign3A_467 = arith.subi %sign3A_462, %sign3A_466 : vector<512x128xi32>
    %sign3A_468 = arith.constant 0 : i32
    %sign3A_469 = arith.cmpi sgt, %jit3A_456, %sign3A_468 : i32
    %sign3A_470 = arith.extui %sign3A_469 : i1 to i32
    %sign3A_471 = arith.constant 0 : i32
    %sign3A_472 = arith.cmpi slt, %jit3A_456, %sign3A_471 : i32
    %sign3A_473 = arith.extui %sign3A_472 : i1 to i32
    %sign3A_474 = arith.subi %sign3A_470, %sign3A_473 : i32
    %ne3A_475 = vector.broadcast %sign3A_474 : i32 to vector<512x128xi32>
    %ne3A_476 = arith.cmpi ne, %sign3A_467, %ne3A_475 : vector<512x128xi32>
    %rem3A_477 = vector.broadcast %jit3A_456 : i32 to vector<512x128xi32>
    %rem3A_478 = arith.remsi %add3A_455, %rem3A_477 : vector<512x128xi32>
    %ne3A_479 = arith.constant 0 : i32
    %ne3A_480 = vector.broadcast %ne3A_479 : i32 to vector<512x128xi32>
    %ne3A_481 = arith.cmpi ne, %rem3A_478, %ne3A_480 : vector<512x128xi32>
    %and3A_482 = arith.andi %ne3A_476, %ne3A_481 : vector<512x128xi1>
    %sub3A_483 = arith.constant 1 : i32
    %sub3A_484 = vector.broadcast %sub3A_483 : i32 to vector<512x128xi32>
    %sub3A_485 = arith.subi %div3A_458, %sub3A_484 : vector<512x128xi32>
    %select_n3A_486 = arith.select %and3A_482, %sub3A_485, %div3A_458 : vector<512x128xi1>, vector<512x128xi32>
    %mul3A_487 = arith.constant 6 : i32
    %mul3A_488 = vector.broadcast %mul3A_487 : i32 to vector<512x128xi32>
    %mul3A_489 = arith.muli %mul3A_488, %select_n3A_486 : vector<512x128xi32>
    %sub3A_490 = arith.subi %add3A_455, %mul3A_489 : vector<512x128xi32>
    %slice3A_491 = vector.extract_strided_slice %convert_element_type3A_6 {offsets = [0, 1024], sizes = [512, 128], strides = [1, 1]} : vector<512x1280xi32> to vector<512x128xi32>
    %mul3A_492 = arith.constant 6 : i32
    %mul3A_493 = vector.broadcast %mul3A_492 : i32 to vector<512x128xi32>
    %mul3A_494 = arith.muli %slice3A_491, %mul3A_493 : vector<512x128xi32>
    %add3A_495 = arith.addi %mul3A_494, %sub3A_490 : vector<512x128xi32>
    %lt3A_496 = arith.constant 0 : i32
    %lt3A_497 = vector.broadcast %lt3A_496 : i32 to vector<512x128xi32>
    %lt3A_498 = arith.cmpi slt, %add3A_495, %lt3A_497 : vector<512x128xi32>
    %add3A_499 = arith.constant 128 : i32
    %add3A_500 = vector.broadcast %add3A_499 : i32 to vector<512x128xi32>
    %add3A_501 = arith.addi %add3A_495, %add3A_500 : vector<512x128xi32>
    %select_n3A_502 = arith.select %lt3A_498, %add3A_501, %add3A_495 : vector<512x128xi1>, vector<512x128xi32>
    %reshape3A_503 = vector.shape_cast %select_n3A_502 : vector<512x128xi32> to vector<512x128x1xi32>
    %gather3A_504 = vector.shape_cast %reshape3A_503 : vector<512x128x1xi32> to vector<512x128xi32>
    %gather3A_505 = tpu.dynamic_gather %broadcast_in_dim3A_10[%gather3A_504] in [1] : vector<512x128xf32>, vector<512x128xi32> -> vector<512x128xf32>
    %swap3A_506 = arith.constant 0 : index
    %swap3A_507 = arith.constant 1024 : index
    %swap3A_508 = vector.load %arg6[%swap3A_506, %swap3A_507] : memref<512x1200xf32, #tpu.memory_space<vmem>>, vector<512x128xf32>
    tpu.vector_store %arg6[%swap3A_506, %swap3A_507], %gather3A_505 {strides = array<i32>} : memref<512x1200xf32, #tpu.memory_space<vmem>>, vector<512x128xf32>,
    %iota3A_509 = tpu.iota {dimensions = array<i32: 1>} : vector<512x128xi32>
    %add3A_510 = arith.constant 1152 : i32
    %add3A_511 = vector.broadcast %add3A_510 : i32 to vector<512x128xi32>
    %add3A_512 = arith.addi %iota3A_509, %add3A_511 : vector<512x128xi32>
    %jit3A_513 = arith.constant 6 : i32
    %div3A_514 = vector.broadcast %jit3A_513 : i32 to vector<512x128xi32>
    %div3A_515 = arith.divsi %add3A_512, %div3A_514 : vector<512x128xi32>
    %sign3A_516 = arith.constant 0 : i32
    %sign3A_517 = vector.broadcast %sign3A_516 : i32 to vector<512x128xi32>
    %sign3A_518 = arith.cmpi sgt, %add3A_512, %sign3A_517 : vector<512x128xi32>
    %sign3A_519 = arith.extui %sign3A_518 : vector<512x128xi1> to vector<512x128xi32>
    %sign3A_520 = arith.constant 0 : i32
    %sign3A_521 = vector.broadcast %sign3A_520 : i32 to vector<512x128xi32>
    %sign3A_522 = arith.cmpi slt, %add3A_512, %sign3A_521 : vector<512x128xi32>
    %sign3A_523 = arith.extui %sign3A_522 : vector<512x128xi1> to vector<512x128xi32>
    %sign3A_524 = arith.subi %sign3A_519, %sign3A_523 : vector<512x128xi32>
    %sign3A_525 = arith.constant 0 : i32
    %sign3A_526 = arith.cmpi sgt, %jit3A_513, %sign3A_525 : i32
    %sign3A_527 = arith.extui %sign3A_526 : i1 to i32
    %sign3A_528 = arith.constant 0 : i32
    %sign3A_529 = arith.cmpi slt, %jit3A_513, %sign3A_528 : i32
    %sign3A_530 = arith.extui %sign3A_529 : i1 to i32
    %sign3A_531 = arith.subi %sign3A_527, %sign3A_530 : i32
    %ne3A_532 = vector.broadcast %sign3A_531 : i32 to vector<512x128xi32>
    %ne3A_533 = arith.cmpi ne, %sign3A_524, %ne3A_532 : vector<512x128xi32>
    %rem3A_534 = vector.broadcast %jit3A_513 : i32 to vector<512x128xi32>
    %rem3A_535 = arith.remsi %add3A_512, %rem3A_534 : vector<512x128xi32>
    %ne3A_536 = arith.constant 0 : i32
    %ne3A_537 = vector.broadcast %ne3A_536 : i32 to vector<512x128xi32>
    %ne3A_538 = arith.cmpi ne, %rem3A_535, %ne3A_537 : vector<512x128xi32>
    %and3A_539 = arith.andi %ne3A_533, %ne3A_538 : vector<512x128xi1>
    %sub3A_540 = arith.constant 1 : i32
    %sub3A_541 = vector.broadcast %sub3A_540 : i32 to vector<512x128xi32>
    %sub3A_542 = arith.subi %div3A_515, %sub3A_541 : vector<512x128xi32>
    %select_n3A_543 = arith.select %and3A_539, %sub3A_542, %div3A_515 : vector<512x128xi1>, vector<512x128xi32>
    %mul3A_544 = arith.constant 6 : i32
    %mul3A_545 = vector.broadcast %mul3A_544 : i32 to vector<512x128xi32>
    %mul3A_546 = arith.muli %mul3A_545, %select_n3A_543 : vector<512x128xi32>
    %sub3A_547 = arith.subi %add3A_512, %mul3A_546 : vector<512x128xi32>
    %slice3A_548 = vector.extract_strided_slice %convert_element_type3A_6 {offsets = [0, 1152], sizes = [512, 128], strides = [1, 1]} : vector<512x1280xi32> to vector<512x128xi32>
    %mul3A_549 = arith.constant 6 : i32
    %mul3A_550 = vector.broadcast %mul3A_549 : i32 to vector<512x128xi32>
    %mul3A_551 = arith.muli %slice3A_548, %mul3A_550 : vector<512x128xi32>
    %add3A_552 = arith.addi %mul3A_551, %sub3A_547 : vector<512x128xi32>
    %lt3A_553 = arith.constant 0 : i32
    %lt3A_554 = vector.broadcast %lt3A_553 : i32 to vector<512x128xi32>
    %lt3A_555 = arith.cmpi slt, %add3A_552, %lt3A_554 : vector<512x128xi32>
    %add3A_556 = arith.constant 128 : i32
    %add3A_557 = vector.broadcast %add3A_556 : i32 to vector<512x128xi32>
    %add3A_558 = arith.addi %add3A_552, %add3A_557 : vector<512x128xi32>
    %select_n3A_559 = arith.select %lt3A_555, %add3A_558, %add3A_552 : vector<512x128xi1>, vector<512x128xi32>
    %reshape3A_560 = vector.shape_cast %select_n3A_559 : vector<512x128xi32> to vector<512x128x1xi32>
    %gather3A_561 = vector.shape_cast %reshape3A_560 : vector<512x128x1xi32> to vector<512x128xi32>
    %gather3A_562 = tpu.dynamic_gather %broadcast_in_dim3A_10[%gather3A_561] in [1] : vector<512x128xf32>, vector<512x128xi32> -> vector<512x128xf32>
    %slice3A_563 = vector.extract_strided_slice %gather3A_562 {offsets = [0, 0], sizes = [512, 48], strides = [1, 1]} : vector<512x128xf32> to vector<512x48xf32>
    %swap3A_564 = arith.constant 0 : index
    %swap3A_565 = arith.constant 1152 : index
    %swap3A_566 = vector.load %arg6[%swap3A_564, %swap3A_565] : memref<512x1200xf32, #tpu.memory_space<vmem>>, vector<512x48xf32>
    tpu.vector_store %arg6[%swap3A_564, %swap3A_565], %slice3A_563 {strides = array<i32>} : memref<512x1200xf32, #tpu.memory_space<vmem>>, vector<512x48xf32>,
    %get3A_567 = arith.constant 0 : index
    %get3A_568 = arith.constant 0 : index
    %get3A_569 = vector.load %arg4[%get3A_567, %get3A_568] : memref<6x6xf32, #tpu.memory_space<vmem>>, vector<6x6xf32>
    %dot_general3A_570 = arith.constant dense<0.000000e+00> : vector<512x6xf32>
    %dot_general3A_571 = tpu.matmul %slice3A_52, %get3A_569, %dot_general3A_570 {dimension_numbers = #tpu.dot_dimension_numbers<[1], [0], [0], [1], [0, 0, 1, 1], [], []>, transpose_lhs_hint = false} : vector<512x6xf32>, vector<6x6xf32>, vector<512x6xf32> -> vector<512x6xf32>
    %get3A_572 = arith.constant 0 : index
    %get3A_573 = arith.constant 0 : index
    %get3A_574 = vector.load %arg5[%get3A_572, %get3A_573] : memref<1x6xf32, #tpu.memory_space<vmem>>, vector<1x6xf32>
    %add3A_575 = vector.broadcast %get3A_574 : vector<1x6xf32> to vector<512x6xf32>
    %add3A_576 = arith.addf %dot_general3A_571, %add3A_575 : vector<512x6xf32>
    %tanh3A = math.tanh %add3A_576 : vector<512x6xf32>
    %swap3A_577 = arith.constant 0 : index
    %swap3A_578 = arith.constant 0 : index
    %swap3A_579 = vector.load %arg7[%swap3A_577, %swap3A_578] : memref<512x6xf32, #tpu.memory_space<vmem>>, vector<512x6xf32>
    tpu.vector_store %arg7[%swap3A_577, %swap3A_578], %tanh3A {strides = array<i32>} : memref<512x6xf32, #tpu.memory_space<vmem>>, vector<512x6xf32>,
    return
  }
  func.func @transform_0(%arg0: i32) -> (i32, i32) {
    %c0_i32 = arith.constant 0 : i32
    %c0_i32_0 = arith.constant 0 : i32
    return %arg0, %c0_i32 : i32, i32
  }
  func.func @transform_1(%arg0: i32) -> (i32, i32) {
    %c0_i32 = arith.constant 0 : i32
    %c0_i32_0 = arith.constant 0 : i32
    %c0_i32_1 = arith.constant 0 : i32
    return %c0_i32, %c0_i32_0 : i32, i32
  }
  func.func @transform_2(%arg0: i32) -> (i32, i32) {
    %c0_i32 = arith.constant 0 : i32
    %c0_i32_0 = arith.constant 0 : i32
    %c0_i32_1 = arith.constant 0 : i32
    return %c0_i32, %c0_i32_0 : i32, i32
  }
  func.func @transform_3(%arg0: i32) -> (i32, i32) {
    %c0_i32 = arith.constant 0 : i32
    %c0_i32_0 = arith.constant 0 : i32
    %c0_i32_1 = arith.constant 0 : i32
    return %c0_i32, %c0_i32_0 : i32, i32
  }
  func.func @transform_4(%arg0: i32) -> (i32, i32) {
    %c0_i32 = arith.constant 0 : i32
    %c0_i32_0 = arith.constant 0 : i32
    %c0_i32_1 = arith.constant 0 : i32
    return %c0_i32, %c0_i32_0 : i32, i32
  }
  func.func @transform_5(%arg0: i32) -> (i32, i32) {
    %c0_i32 = arith.constant 0 : i32
    %c0_i32_0 = arith.constant 0 : i32
    return %arg0, %c0_i32 : i32, i32
  }
  func.func @transform_6(%arg0: i32) -> (i32, i32) {
    %c0_i32 = arith.constant 0 : i32
    %c0_i32_0 = arith.constant 0 : i32
    return %arg0, %c0_i32 : i32, i32
  }
}

</mosaic_0001>

<sc_bundles>
// kernel: sparse-core-data-format-call.cloned.1.call-start
scs
called_computation_lowered:
.L_overlay_start_0:
0x0: {  	s2 =	sld [smem:$0x3FD9]  }
0x1: {  	s3 =	sld [smem:$0x3FFE];
	_ =	sdelay $0x1  }
0x2: {  	s1 =	srdreg.scid  }
0x3: {  	s0 =	sand.u32 $0x1, s1  }
0x4: {  	s15 =	sshll.u32 s0, $0xA;
	s2 =	sadd.s32 s3, s2  }
0x5: {  	s2 =	sadd.s32 s2, s15  }
0x6: {  	[smem:$0x3FC4] =	sst s2  }
0x7: {  	_ = 	snop  }
0x8: {  	s2 =	sld [smem:$0x3FD0];
	_ =	sdelay $0x2  }
0x9: {  	s16 =	simm.s32 $0xA;
	s4 =	simm.s32 $0x10  }
0xa: {  	[smem:s4], [sflag:s16] =	dma.local [hbm:s2], $0x1  }
0xb: {  	_ =	swait.eq [sflag:s16], $0x1  }
0xc: {  	[sflag:s16] =	ssyncset.done $0x0  }
0xd: {  	[sflag:s16] =	ssyncadd.s32 $0xFFFFFFFF  }
0xe: {  	s17 =	sld [smem:$0x10];
	(tm) =	ssettm $0x1  }
0xf: {  	s18 =	sld [smem:$0x3FFB];
	_ =	sdelay $0x3  }
0x10: {  	_ =	strace s18  }
0x11: {  	s3 =	sld [smem:$0x3FFC];
	_ =	sdelay $0x3  }
0x12: {  	_ =	strace s3  }
0x13: {  	s3 =	sld [smem:$0x3FFD];
	_ =	sdelay $0x3  }
0x14: {  	_ =	strace s3  }
0x15: {  	_ =	strace $0x8FFFFFFF  }
0x16: {  	s19 =	sld [smem:$0x3FDB];
	_ =	sdelay $0x1  }
0x17: {  	s20 =	simm.s32 $_scs_section_size  }
0x18: {  	s5 =	simm.s32 $_size__tile_overlayer_lowered;
	s6 =	simm.s32 $_tile_overlayer_lowered  }
0x19: {  	s23 =	simm.s32 $0x1BFF;
	s22 =	sshll.u32 s6, $0x1;
	s3 =	sadd.s32 s20, s19  }
0x1a: {  	s7 =	simm.s32 $0x0;
	s21 =	sshll.u32 s5, $0x1;
	s5 =	sadd.s32 s22, s3  }
0x1b: {  	[timem:s7], [sflag:s23] =	dma.local [hbm:s5], s21  }
0x1c: {  	_ =	swait.ge [sflag:s23], s21  }
0x1d: {  	s4 =	ssub.s32 $0x0, s21;
	[sflag:s23] =	ssyncset.done $0x0  }
0x1e: {  	[sflag:s23] =	ssyncadd.s32 s4;
	_ =	sdelay $0x1  }
0x1f: {  	s24 =	simm.s32 $0x1B8B  }
0x20: {  	_ =	swait.ge [sflag:s24], $0x1  }
0x21: {  	[sflag:s24] =	ssyncset.done $0x0  }
0x22: {  	s26 =	simm.s32 $0x1B8E;
	s25 =	sld [smem:$0x3FFE];
	[sflag:s24] =	ssyncadd.s32 $0xFFFFFFFF  }
0x23: {  	s27 =	simm.s32 $execute0_lowered;
	[smem:$0x3FD2] =	sst s26  }
0x24: {  	s5 =	sshll.u32 s27, $0x1;
	_ =	strace $0x80000046;
	[dreg:$0x1] =	wrdreg $0xFFFFFFFF  }
0x25: {  	s28 =	simm.s32 $_size_execute0_lowered;
	s3 =	sadd.s32 s3, s5;
	[dreg:$0x0] =	wrdreg $0x0  }
0x26: {  	s5 =	sshll.u32 s28, $0x1;
	[dreg:$0x2] =	wrdreg s3  }
0x27: {  	[dreg:$0x3] =	wrdreg s5  }
0x28: {  	[dreg:$0x4] =	wrdreg $0xC0  }
0x29: {  	_ =	task [dreg:s7], $0x5FFFF  }
0x2a: {  	[dreg:$0x1] =	wrdreg $0xFFFFFFFF  }
0x2b: {  	[dreg:$0x0] =	wrdreg $0x60  }
0x2c: {  	[dreg:$0x2] =	wrdreg s25  }
0x2d: {  	[dreg:$0x3] =	wrdreg s17  }
0x2e: {  	[dreg:$0x4] =	wrdreg $0x9  }
0x2f: {  	_ =	task.clear_ibuf [dreg:s7], $0x5FFFF;
	_ =	strace $0x90000046  }
0x30: {  	s29 =	simm.s32 $0x9;
	_ =	strace $0x80000048  }
0x31: {  	_ =	swait.ge [sflag:s29], $0x1  }
0x32: {  	[sflag:s29] =	ssyncadd.s32 $0xFFFFFFFF  }
0x33: {  	_ =	strace $0x90000048  }
0x34: {  	_ =	sfence  }
0x35: {  	s30 =	sld [smem:$0x0];
	_ =	sdelay $0x2  }
0x36: {  	s31 =	sshll.u32 s1, $0xD;
	s1 =	sshrl.u32 s1, $0x2  }
0x37: {  	s3 =	sand.u32 $0x4000, s31;
	s1 =	sadd.s32 s1, s30  }
0x38: {  	s0 =	sor.u32 s3, s0;
	s1 =	sshll.u32 s1, $0x11  }
0x39: {  	s0 =	sor.u32 s1, s0  }
0x3a: {  	s0 =	sadd.s32 $0x8F2B, s0  }
0x3b: {  	[sflag:s0] =	ssyncadd.remote.s32 $0x1  }
0x3c: {  	_ =	sfence.sel $0xFFFF  }
0x3d: {  	[dreg:$0x0] =	wrdreg $0xFFFFFFFF;
	(pc) =	sbr.abs _section_cstart, $3  }
0x3e: {  	[dreg:$0x1] =	wrdreg $0xFFFFFFFF  }
0x3f: {  	_ =	task.clear_ibuf [dreg:s7], $0x2FFFF;
	_ =	strace $0x9FFFFFFF  }
0x40: {  	(tm) =	ssettm $0x7FFFFFFF  }
0x41: {  	_ =	shalt  }
tec
execute0_lowered:
.L_overlay_start_1:
0x0: {  	(tag) =	ssettag $0x1  }
0x1: {  	s3 =	stileid.u32  }
0x2: {  	s0 =	srdreg.scid;
	s28 =	rddreg [dreg:$0x0];
	_ =	strace $0x80000047  }
0x3: {  	s29 =	simm.s32 $0x1;
	s1 =	sshll.u32 s3, $0x6;
	s0 =	sshll.u32 s0, $0xA  }
0x4: {  	s31 =	simm.s32 $0x2;
	s17 =	simm.s32 $0x0;
	s0 =	sor.u32 s1, s0  }
0x5: {  	s19 =	simm.s32 $0x0;
	s18 =	simm.s32 $0x0;
	s5 =	sand.u32 $0x780, s0  }
0x6: {  	s10 =	simm.s32 $0x0;
	s11 =	simm.s32 $0x0;
	s0 =	ssub.s32 $0x4000, s5  }
0x7: {  	s13 =	simm.s32 $0x0;
	s6 =	sadd.s32 $0x2C0E00, s28;
	s2 =	sand.u32 $0x780, s0  }
0x8: {  	s30 =	sshll.u32 s3, $0x7;
	p0 =	sne.s32 s2, $0x0;
	s2 =	simm.s32 $0x1  }
0x9: {  	s8 =	sand.u32 $0x80, s30;
	s0 =	sshrl.u32 s0, $0xB;
	s2 =	simm.s32 @!p0 $0x0  }
.Ltmp0:
0xa: {  	[dreg:$0x4] =	wrdreg s6;
	s0 =	sadd.s32 s2, s0;
	(pc) =	sbr.rel .LBB1_1-.Ltmp0, $4  }
0xb: {  	s14 =	simm.s32 $0x0;
	[dreg:$0x6] =	wrdreg s8;
	s7 =	smul.u32 $0x6, s0  }
0xc: {  	s16 =	simm.s32 $0x0;
	[sflag:s29] =	ssyncpa.u1 $0x0;
	[dreg:$0x3] =	wrdreg s5  }
0xd: {  	[sflag:s31] =	ssyncpa.u1 $0x0;
	s9 =	sor.u32 $0x1, s7;
	[dreg:$0x5] =	wrdreg s7  }
0xe: {  	s15 =	smov.u32 s8;
	s12 =	smov.u32 s5;
	[dreg:$0x7] =	wrdreg s9  }
.LBB1_14:
0xf: {  	p0 =	sgt.s32 s11, $0x5;
	s0 =	smov.u32 s11;
	s1 =	sshll.u32 s13, $0xE  }
0x10: {  	s2 =	sshll.u32 s10, $0x3;
	s4 =	sshll.u32 s13, $0x7;
	s5 =	sand.u32 $0x78, s10  }
0x11: {  	s25 =	smul.u32 $0x64000, s11;
	s26 =	rddreg [dreg:$0x1];
	s27 =	sand.u32 $0x7, s10  }
0x12: {  	s29 =	sor.u32 $0x8000, s23;
	s31 =	simm.s32 $0x20000;
	s0 =	simm.s32 @!p0 $0x5  }
0x13: {  	s6 =	rddreg [dreg:$0x4];
	s1 =	sand.u32 $0xFFFE0000, s1;
	s0 =	sadd.s32 s22, s0  }
0x14: {  	s7 =	rddreg [dreg:$0x5];
	s1 =	sadd.s32 s1, s2;
	s3 =	sadd.s32 $0xFFFFFFFB, s0  }
0x15: {  	s1 =	sshrl.u32 s1, $0xE;
	s0 =	ssub.s32 $0x6, s0;
	p0 =	sgt.s32 s3, $0x0  }
0x16: {  	s4 =	sand.u32 $0x380, s4;
	s24 =	smulhi.u32 $0x147AE15, s1;
	s0 =	simm.s32 @p0 $0x0  }
0x17: {  	s2 =	sand.u32 $0x3C00, s2;
	s4 =	sor.u32 s4, s5;
	s0 =	smul.u32 s20, s0  }
0x18: {  	s8 =	rddreg [dreg:$0x6];
	s2 =	sor.u32 s2, s4;
	s3 =	smul.u32 $0xC8, s24  }
0x19: {  	s9 =	rddreg [dreg:$0x7];
	s28 =	sshll.u32 s27, $0x12;
	s2 =	sshrl.u32 s2, $0x3  }
0x1a: {  	s0 =	smul.u32 s21, s0;
	s1 =	ssub.s32 s1, s3;
	s3 =	sadd.s32 s26, s25  }
0x1b: {  	s30 =	sor.u32 $0x400, s28;
	s1 =	sshll.u32 s1, $0xB;
	s2 =	sadd.s32 s2, s3  }
0x1c: {  	s5 =	rddreg [dreg:$0x3];
	s0 =	sand.u32 $0x3FFFFFFF, s0;
	s1 =	sadd.s32 s1, s2  }
0x1d: {  	[hbm4b:s1+s30] =	stream.strided.scatter [tilespmem:s29], [sflag:$0x2], s0, s31, s30, $0x38;
	[tilespmem:$0x10000] =	vst v63  }
.LBB1_15:
0x1e: {  	p0 =	slt.u32 s16, $0x2  }
0x1f: {  	p1 =	sgt.s32 @!p0 s19, $0x5  }
0x20: {  	s0 =	smov.u32 s19;
	s1 =	sshra.s32 @!p0 s19, $0x1F;
	p1 =	por !p1, p0  }
0x21: {  	s1 =	sand.u32 @!p0 s1, s19;
	s0 =	simm.s32 @p1 $0x5;
	p1 =	sgt.s32 @!p0 s18, $0x48  }
0x22: {  	s2 =	smov.u32 s18;
	s0 =	ssub.s32 @!p0 s0, s1;
	p1 =	por !p1, p0  }
0x23: {  	s3 =	sshra.s32 @!p0 s18, $0x1F;
	s1 =	sadd.s32 @!p0 $0xFFFFFFFB, s0;
	s2 =	simm.s32 @p1 $0x48  }
0x24: {  	p1 =	sgt.s32 @!p0 s17, $0x3F80;
	p2 =	sgt.s32 @!p0 s1, $0x0;
	s1 =	sand.u32 @!p0 s3, s18  }
0x25: {  	s0 =	ssub.s32 @!p0 $0x6, s0;
	p1 =	por !p1, p0;
	s1 =	ssub.s32 @!p0 s2, s1  }
0x26: {  	s3 =	smov.u32 s17;
	p2 =	por !p2, p0;
	s2 =	sadd.s32 @!p0 $0xFFFFFFB8, s1  }
0x27: {  	s3 =	simm.s32 @p1 $0x3F80;
	p1 =	sgt.s32 @!p0 s2, $0x7F;
	s2 =	sshra.s32 @!p0 s17, $0x1F  }
0x28: {  	s1 =	ssub.s32 @!p0 $0xC8, s1;
	p1 =	por !p1, p0;
	s2 =	sand.u32 @!p0 s2, s17  }
0x29: {  	s0 =	simm.s32 @!p2 $0x0;
	s1 =	simm.s32 @!p1 $0x0;
	s2 =	ssub.s32 @!p0 s3, s2  }
0x2a: {  	s0 =	smul.u32 @!p0 s1, s0;
	s1 =	sadd.s32 @!p0 $0xFFFFC080, s2  }
0x2b: {  	p1 =	sgt.s32 @!p0 s1, $0x7F;
	s1 =	ssub.s32 @!p0 $0x4000, s2;
	s2 =	sadd.s32 $0x800, s12  }
0x2c: {  	s3 =	simm.s32 $0x1;
	p1 =	por !p1, p0;
	p2 =	sgt.s32 s2, $0x3FFF  }
0x2d: {  	s1 =	simm.s32 @!p1 $0x0;
	s3 =	simm.s32 @!p2 $0x0  }
0x2e: {  	s0 =	smul.u32 @!p0 s1, s0;
	s1 =	sadd.s32 s3, s14  }
0x2f: {  	s4 =	smov.u32 s15;
	s3 =	sadd.s32 $0x100, s15;
	p1 =	sgt.s32 s1, $0x5  }
0x30: {  	s19 =	smov.u32 s11;
	s4 =	smov.u32 @p1 s3  }
0x31: {  	s11 =	smov.u32 s14;
	s1 =	simm.s32 @p1 $0x0;
	p1 =	sgt.s32 s4, $0xC7  }
0x32: {  	s18 =	smov.u32 s13;
	s4 =	smov.u32 @p1 s8;
	p1 =	sne.s32 s16, s9  }
.Ltmp1:
0x33: {  	s13 =	smov.u32 s15;
	s17 =	smov.u32 s10;
	(pc) =	sbr.rel @!p1 .LBB1_16-.Ltmp1, $4  }
0x34: {  	s2 =	smov.u32 @p2 s5;
	s0 =	sand.u32 @!p0 $0x3FFFFFFF, s0;
	s3 =	simm.s32 @!p0 $0x2  }
0x35: {  	s10 =	smov.u32 s12;
	s12 =	smov.u32 s2;
	_ =	swait.ge @!p0 [sflag:s3], s0  }
0x36: {  	s0 =	ssub.s32 @!p0 $0x0, s0;
	s14 =	smov.u32 s1;
	[sflag:s3] =	ssyncset.done @!p0 $0x0  }
0x37: {  	s16 =	sadd.s32 $0x1, s16;
	[sflag:s3] =	ssyncadd.s32 @!p0 s0;
	s15 =	smov.u32 s4  }
.LBB1_1:
0x38: {  	p0 =	sge.u32 s16, s7  }
0x39: {  	s2 =	smov.u32 s15;
	s31 =	sadd.s32 $0xFFFFFFFF, s16;
	s0 =	sand.u32 @!p0 $0x78, s12  }
0x3a: {  	p1 =	sgt.s32 @!p0 s15, $0x48;
	s1 =	sshll.u32 @!p0 s14, $0x7;
	s3 =	sshra.s32 @!p0 s15, $0x1F  }
0x3b: {  	p1 =	por !p1, p0;
	s1 =	sand.u32 @!p0 $0x380, s1;
	s3 =	sand.u32 @!p0 s3, s15  }
0x3c: {  	s2 =	simm.s32 @p1 $0x48;
	s0 =	sor.u32 @!p0 s1, s0;
	p1 =	sgt.s32 @!p0 s14, $0x7  }
0x3d: {  	s1 =	ssub.s32 @!p0 s2, s3;
	p1 =	por !p1, p0;
	s3 =	smov.u32 s14  }
0x3e: {  	s4 =	sshra.s32 @!p0 s14, $0x1F;
	s2 =	sadd.s32 @!p0 $0xFFFFFFB8, s1;
	s3 =	simm.s32 @p1 $0x7  }
0x3f: {  	p1 =	sgt.s32 @!p0 s12, $0x3F80;
	p2 =	sgt.s32 @!p0 s2, $0x7F;
	s2 =	sand.u32 @!p0 s4, s14  }
0x40: {  	s1 =	ssub.s32 @!p0 $0xC8, s1;
	p1 =	por !p1, p0;
	s2 =	ssub.s32 @!p0 s3, s2  }
0x41: {  	s4 =	smov.u32 s12;
	p2 =	por !p2, p0;
	s3 =	sadd.s32 @!p0 $0xFFFFFFF9, s2  }
0x42: {  	s4 =	simm.s32 @p1 $0x3F80;
	p1 =	sgt.s32 @!p0 s3, $0x0;
	s3 =	sshra.s32 @!p0 s12, $0x1F  }
0x43: {  	s2 =	ssub.s32 @!p0 $0x8, s2;
	p1 =	por !p1, p0;
	s3 =	sand.u32 @!p0 s3, s12  }
0x44: {  	s1 =	simm.s32 @!p2 $0x0;
	s2 =	simm.s32 @!p1 $0x0;
	s3 =	ssub.s32 @!p0 s4, s3  }
0x45: {  	s4 =	sxor.u32 @!p0 $0xFFFFFFFF, s16;
	s1 =	smul.u32 @!p0 s1, s2;
	s2 =	sadd.s32 @!p0 $0xFFFFC080, s3  }
0x46: {  	s4 =	sshll.u32 @!p0 s4, $0xE;
	p1 =	sgt.s32 @!p0 s2, $0x7F;
	s2 =	sshll.u32 @!p0 s12, $0x3  }
0x47: {  	s3 =	ssub.s32 @!p0 $0x4000, s3;
	s2 =	sand.u32 @!p0 $0x3C00, s2;
	p1 =	por !p1, p0  }
0x48: {  	s0 =	sor.u32 @!p0 s2, s0;
	s3 =	simm.s32 @!p1 $0x0;
	s2 =	sshll.u32 @!p0 s15, $0xE  }
0x49: {  	s1 =	smul.u32 @!p0 s3, s1;
	s3 =	sand.u32 @!p0 $0x3800, s12;
	s2 =	sadd.s32 @!p0 s6, s2  }
0x4a: {  	s4 =	sand.u32 @!p0 $0x4000, s4;
	s2 =	sadd.s32 @!p0 s3, s2;
	s3 =	sand.u32 @!p0 $0x7, s12  }
0x4b: {  	s0 =	sshrl.u32 @!p0 s0, $0x3;
	s1 =	sand.u32 @!p0 $0x3FFFFFFF, s1;
	s3 =	sshll.u32 @!p0 s3, $0x12  }
0x4c: {  	s0 =	sadd.s32 @!p0 s0, s2;
	s2 =	sor.u32 @!p0 $0x80, s3;
	s3 =	simm.s32 @!p0 $0x20000  }
0x4d: {  	[tilespmem:s4], [sflag:$0x1] =	stream.strided.gather @!p0 [hbm4b:s0+s2], s1, s3, s2, $0x38;
	[tilespmem:$0x10000] =	vst v63  }
0x4e: {  	p0 =	sge.u32 s31, s7  }
.Ltmp2:
0x4f: {  	_ = 	snop;
	(pc) =	sbr.rel @p0 .LBB1_15-.Ltmp2, $1  }
0x50: {  	_ =	sdelay $0x3  }
0x51: {  	p0 =	sgt.s32 s13, $0x48;
	s0 =	smov.u32 s13  }
0x52: {  	s1 =	sshra.s32 s13, $0x1F;
	s23 =	ssub.s32 $0x0, s11;
	s2 =	sshra.s32 s11, $0x1F  }
0x53: {  	p1 =	sgt.s32 s10, $0x3F80;
	s3 =	smov.u32 s10;
	s4 =	sshra.s32 s10, $0x1F  }
0x54: {  	s5 =	smov.u32 s11;
	s0 =	simm.s32 @!p0 $0x48;
	s1 =	sand.u32 s1, s13  }
0x55: {  	s3 =	simm.s32 @!p1 $0x3F80;
	p1 =	sgt.s32 s11, $0x7;
	s4 =	sand.u32 s4, s10  }
0x56: {  	s22 =	sand.u32 s23, s2;
	s2 =	sadd.s32 $0x80, s13;
	s0 =	ssub.s32 s0, s1  }
0x57: {  	s5 =	simm.s32 @!p1 $0x7;
	s24 =	ssub.s32 s3, s4;
	s3 =	sadd.s32 $0x1, s11  }
0x58: {  	s1 =	sadd.s32 $0xFFFFFFB8, s0;
	s20 =	ssub.s32 $0xC8, s0;
	s25 =	sadd.s32 s22, s5  }
0x59: {  	s26 =	sadd.s32 $0xFFFFC080, s24;
	p0 =	sgt.s32 s1, $0x7F;
	s27 =	sadd.s32 $0xFFFFFFF9, s25  }
0x5a: {  	s0 =	ssub.s32 $0x8, s25;
	s20 =	simm.s32 @p0 $0x0;
	p0 =	sgt.s32 s27, $0x0  }
0x5b: {  	s21 =	ssub.s32 $0x4000, s24;
	s0 =	simm.s32 @p0 $0x0;
	p0 =	slt.s32 s2, $0xC8  }
0x5c: {  	p1 =	sgt.s32 s26, $0x7F;
	s2 =	simm.s32 @!p0 $0xC8;
	p0 =	slt.s32 s3, $0x6  }
0x5d: {  	s21 =	simm.s32 @p1 $0x0;
	s24 =	ssub.s32 s2, s13;
	s3 =	simm.s32 @!p0 $0x6  }
0x5e: {  	s28 =	smul.u32 s20, s21;
	s25 =	ssub.s32 s3, s11;
	p0 =	slt.s32 s24, $0x1  }
0x5f: {  	p1 =	slt.s32 @!p0 s25, $0x1  }
0x60: {  	s0 =	smul.u32 s0, s28;
	p1 =	por p0, p1  }
.Ltmp3:
0x61: {  	_ = 	snop;
	(pc) =	sbr.rel @p1 .LBB1_14-.Ltmp3, $4  }
0x62: {  	s30 =	simm.s32 $0x1;
	s0 =	sand.u32 $0x3FFFFFFF, s0  }
0x63: {  	_ =	swait.ge [sflag:s30], s0  }
0x64: {  	s31 =	sshll.u32 s16, $0xE;
	s29 =	ssub.s32 $0x0, s0;
	[sflag:s30] =	ssyncset.done $0x0  }
0x65: {  	s23 =	sand.u32 $0x4000, s31;
	[sflag:s30] =	ssyncadd.s32 s29  }
0x66: {  	s0 =	sadd.s32 $0x80, s10  }
0x67: {  	p1 =	slt.s32 s0, $0x4000  }
.Ltmp4:
0x68: {  	s0 =	simm.s32 @!p1 $0x4000;
	(pc) =	sbr.rel .LBB1_4-.Ltmp4, $4  }
0x69: {  	s28 =	sor.u32 @!p0 $0x8000, s23;
	s0 =	ssub.s32 s0, s10  }
0x6a: {  	s30 =	simm.s32 $0x0;
	s7 =	simm.s32 $0x400;
	s0 =	sadd.s32 $0xF, s0  }
0x6b: {  	s26 =	sand.u32 $0xFFFFFFF0, s0;
	s27 =	sand.u32 @!p0 $0xFFFFFF00, s0;
	s1 =	sshll.u32 s0, $0x3  }
0x6c: {  	p0 =	slt.s32 s0, $0x100;
	s29 =	sand.u32 $0xFFFFF800, s1;
	p1 =	sge.s32 s27, s26  }
.LBB1_13:
0x6d: {  	s30 =	sadd.s32 $0x1, s30  }
0x6e: {  	p2 =	sne.s32 s30, s24  }
.Ltmp5:
0x6f: {  	_ = 	snop;
	(pc) =	sbr.rel @!p2 .LBB1_14-.Ltmp5, $2  }
0x70: {  	_ =	sdelay $0x2  }
0x71: {  	s7 =	sadd.s32 $0x80, s7  }
.LBB1_4:
.Ltmp6:
0x72: {  	(pc) =	sbr.rel .LBB1_5-.Ltmp6, $4  }
0x73: {  	_ = 	snop  }
0x74: {  	s1 =	sshll.u32 s30, $0x7  }
0x75: {  	s2 =	sand.u32 $0x380, s1  }
0x76: {  	s9 =	simm.s32 $0x0;
	s0 =	sadd.s32 s1, s23;
	s3 =	sadd.s32 s2, s28  }
.LBB1_12:
0x77: {  	s9 =	sadd.s32 $0x1, s9  }
0x78: {  	p2 =	sne.s32 s9, s25  }
.Ltmp7:
0x79: {  	_ = 	snop;
	(pc) =	sbr.rel @!p2 .LBB1_13-.Ltmp7, $1  }
0x7a: {  	_ =	sdelay $0x3  }
.LBB1_5:
.Ltmp8:
0x7b: {  	(pc) =	sbr.rel @p0 .LBB1_9-.Ltmp8, $2  }
0x7c: {  	_ =	sdelay $0x2  }
0x7d: {  	s5 =	sshll.u32 s9, $0x10  }
0x7e: {  	s2 =	sshll.u32 s9, $0x7  }
0x7f: {  	s4 =	sshra.s32 s5, $0x2;
	s2 =	sand.u32 $0x380, s2  }
0x80: {  	s8 =	sadd.s32 s4, s3;
	s4 =	sadd.s32 s2, s0  }
0x81: {  	v0 =	vmov s8;
	v6 =	vld [tilespmem:s4+$0x70]  }
0x82: {  	v7 =	vld [tilespmem:s4+$0x0]  }
0x83: {  	v8 =	vld [tilespmem:s4+$0x10]  }
0x84: {  	v1 =	vld [tilespmem:s4+$0x20]  }
0x85: {  	s6 =	sadd.s32 $0xFFFFFC00, s7;
	s8 =	sand.u32 $0x3C00, s7;
	v2 =	vld [tilespmem:s4+$0x30]  }
0x86: {  	s2 =	sand.u32 $0x3C00, s6;
	v3 =	vld [tilespmem:s4+$0x40];
	[tilespmem:v0+s8+$0x70 ss:$0x1] =	vst.idx.msk $0xffff, v6  }
0x87: {  	v5 =	vld [tilespmem:s4+$0x50];
	[tilespmem:v0+s2+$0x0 ss:$0x1] =	vst.idx.msk $0xffff, v7  }
0x88: {  	v4 =	vld [tilespmem:s4+$0x60];
	[tilespmem:v0+s2+$0x10 ss:$0x1] =	vst.idx.msk $0xffff, v8  }
0x89: {  	[tilespmem:v0+s2+$0x20 ss:$0x1] =	vst.idx.msk $0xffff, v1  }
0x8a: {  	[tilespmem:v0+s2+$0x30 ss:$0x1] =	vst.idx.msk $0xffff, v2  }
0x8b: {  	p2 =	sgt.s32 s27, $0x100;
	[tilespmem:v0+s2+$0x40 ss:$0x1] =	vst.idx.msk $0xffff, v3  }
.Ltmp9:
0x8c: {  	[tilespmem:v0+s2+$0x50 ss:$0x1] =	vst.idx.msk $0xffff, v5;
	(pc) =	sbr.rel @!p2 .LBB1_8-.Ltmp9, $4  }
0x8d: {  	[tilespmem:v0+s2+$0x60 ss:$0x1] =	vst.idx.msk $0xffff, v4  }
0x8e: {  	[tilespmem:v0+s2+$0x70 ss:$0x1] =	vst.idx.msk $0xffff, v6  }
0x8f: {  	[tilespmem:v0+s8+$0x0 ss:$0x1] =	vst.idx.msk $0xffff, v7  }
0x90: {  	s31 =	smov.u32 s7;
	s2 =	simm.s32 $0x100;
	[tilespmem:v0+s8+$0x10 ss:$0x1] =	vst.idx.msk $0xffff, v8  }
.LBB1_7:
0x91: {  	v6 =	vld [tilespmem:s4+$0x70];
	s2 =	sadd.s32 $0x100, s2;
	[tilespmem:v0+s8+$0x20 ss:$0x1] =	vst.idx.msk $0xffff, v1  }
0x92: {  	v7 =	vld [tilespmem:s4+$0x0];
	p2 =	slt.s32 s2, s27;
	[tilespmem:v0+s8+$0x30 ss:$0x1] =	vst.idx.msk $0xffff, v2  }
0x93: {  	v8 =	vld [tilespmem:s4+$0x10];
	[tilespmem:v0+s8+$0x40 ss:$0x1] =	vst.idx.msk $0xffff, v3  }
0x94: {  	s31 =	sadd.s32 $0x800, s31;
	v1 =	vld [tilespmem:s4+$0x20];
	[tilespmem:v0+s8+$0x50 ss:$0x1] =	vst.idx.msk $0xffff, v5  }
0x95: {  	s6 =	sadd.s32 $0xFFFFFC00, s31;
	v2 =	vld [tilespmem:s4+$0x30];
	[tilespmem:v0+s8+$0x60 ss:$0x1] =	vst.idx.msk $0xffff, v4;
	s8 =	sand.u32 $0x3C00, s31  }
0x96: {  	s6 =	sand.u32 $0x3C00, s6;
	v3 =	vld [tilespmem:s4+$0x40];
	[tilespmem:v0+s8+$0x70 ss:$0x1] =	vst.idx.msk $0xffff, v6  }
0x97: {  	[tilespmem:v0+s6+$0x0 ss:$0x1] =	vst.idx.msk $0xffff, v7;
	v5 =	vld [tilespmem:s4+$0x50]  }
0x98: {  	[tilespmem:v0+s6+$0x10 ss:$0x1] =	vst.idx.msk $0xffff, v8;
	v4 =	vld [tilespmem:s4+$0x60]  }
0x99: {  	[tilespmem:v0+s6+$0x20 ss:$0x1] =	vst.idx.msk $0xffff, v1  }
0x9a: {  	[tilespmem:v0+s6+$0x30 ss:$0x1] =	vst.idx.msk $0xffff, v2  }
0x9b: {  	[tilespmem:v0+s6+$0x40 ss:$0x1] =	vst.idx.msk $0xffff, v3  }
.Ltmp10:
0x9c: {  	[tilespmem:v0+s6+$0x50 ss:$0x1] =	vst.idx.msk $0xffff, v5;
	(pc) =	sbr.rel @p2 .LBB1_7-.Ltmp10, $4  }
0x9d: {  	[tilespmem:v0+s6+$0x60 ss:$0x1] =	vst.idx.msk $0xffff, v4  }
0x9e: {  	[tilespmem:v0+s6+$0x70 ss:$0x1] =	vst.idx.msk $0xffff, v6  }
0x9f: {  	[tilespmem:v0+s8+$0x0 ss:$0x1] =	vst.idx.msk $0xffff, v7  }
0xa0: {  	[tilespmem:v0+s8+$0x10 ss:$0x1] =	vst.idx.msk $0xffff, v8  }
.LBB1_8:
0xa1: {  	_ =	sdelay $0x3  }
0xa2: {  	[tilespmem:v0+s8+$0x20 ss:$0x1] =	vst.idx.msk $0xffff, v1  }
0xa3: {  	[tilespmem:v0+s8+$0x30 ss:$0x1] =	vst.idx.msk $0xffff, v2  }
0xa4: {  	[tilespmem:v0+s8+$0x40 ss:$0x1] =	vst.idx.msk $0xffff, v3  }
0xa5: {  	[tilespmem:v0+s8+$0x50 ss:$0x1] =	vst.idx.msk $0xffff, v5  }
0xa6: {  	[tilespmem:v0+s8+$0x60 ss:$0x1] =	vst.idx.msk $0xffff, v4  }
.LBB1_9:
.Ltmp11:
0xa7: {  	(pc) =	sbr.rel @p1 .LBB1_12-.Ltmp11, $1  }
0xa8: {  	_ =	sdelay $0x3  }
0xa9: {  	s2 =	sand.u32 $0x7, s9  }
0xaa: {  	s2 =	sadd.s32 s30, s2  }
0xab: {  	s2 =	sshll.u32 s2, $0x9  }
0xac: {  	s2 =	sshra.s32 s2, $0x2  }
0xad: {  	s4 =	sadd.s32 s2, s23  }
0xae: {  	v0 =	vmov s4;
	_ =	sdelay $0x1  }
0xaf: {  	s31 =	sshra.s32 s5, $0x2  }
0xb0: {  	s5 =	smov.u32 s27;
	s2 =	sadd.s32 s31, s3;
	s4 =	smov.u32 s29  }
.LBB1_11:
0xb1: {  	s6 =	sand.u32 $0x70, s5;
	s5 =	sadd.s32 $0x10, s5  }
0xb2: {  	s8 =	sand.u32 $0x3C00, s4;
	v1 =	vld.idx.msk [tilespmem:v0+s6+$0x0 ss:$0x1], $0xffff;
	p2 =	slt.s32 s5, s26  }
.Ltmp12:
0xb3: {  	s8 =	sadd.s32 s1, s8;
	(pc) =	sbr.rel @p2 .LBB1_11-.Ltmp12, $4  }
0xb4: {  	s8 =	sand.u32 $0x3C00, s8  }
0xb5: {  	s8 =	sadd.s32 s8, s2  }
0xb6: {  	s6 =	sadd.s32 s6, s8  }
0xb7: {  	s4 =	sadd.s32 $0x80, s4;
	[tilespmem:s6+$0x0] =	vst v1  }
.Ltmp13:
0xb8: {  	_ = 	snop;
	(pc) =	sbr.rel .LBB1_12-.Ltmp13, $1  }
0xb9: {  	_ =	sdelay $0x3  }
.LBB1_16:
0xba: {  	_ =	sfence.sel $0x180000  }
0xbb: {  	s0 =	simm.s32 $0x1;
	[bflag:$0x0] =	sbarrier.arrive $0xFFFF  }
0xbc: {  	s30 =	simm.s32 $0x2;
	[sflag:s0] =	ssyncpa.u1 $0x1  }
0xbd: {  	[sflag:s30] =	ssyncpa.u1 $0x1  }
0xbe: {  	_ =	strace $0x90000047  }
0xbf: {  	s31 =	stileid.u32;
	[bflag:$0x2] =	sbarrier.arrive $0xFFFF  }
0xc0: {  	p0 =	sne.s32 s31, $0x0;
	s0 =	rddreg [dreg:$0x2]  }
0xc1: {  	s0 =	sadd.s32 @!p0 $0x100000, s0  }
0xc2: {  	[sflag:s0] =	ssyncadd.tile.s32 @!p0 $0x1;
	_ =	shalt  }
.Lfunc_end1:
_tile_overlayer_lowered:
.L_overlay_start_2:
0xc3: {  	(tag) =	ssettag $0x2  }
0xc4: {  	s0 =	rddreg [dreg:$0x0];
	s2 =	stileid.u32  }
0xc5: {  	s1 =	rddreg [dreg:$0x1];
	p0 =	sne.s32 s2, $0x0  }
0xc6: {  	s3 =	rddreg [dreg:$0x2];
	[bflag:$0x3] =	sbarrier.arrive $0xFFFF;
	s2 =	simm.s32 @!p0 $0x1C01  }
0xc7: {  	[timem:s3], [sflag:s2] =	dma.local @!p0 [hbm:s0], s1  }
0xc8: {  	s0 =	simm.s32 @!p0 $0x1  }
0xc9: {  	_ =	swait.ge @!p0 [sflag:s0], s1  }
0xca: {  	s1 =	ssub.s32 @!p0 $0x0, s1;
	[sflag:s0] =	ssyncset.done @!p0 $0x0  }
0xcb: {  	[sflag:s0] =	ssyncadd.s32 @!p0 s1  }
0xcc: {  	[bflag:$0x3] =	sbarrier.arrive $0xFFFF  }
0xcd: {  	_ =	shalt  }

</sc_bundles>
